<compile_context>
chip_gen: v7x
topology: tpu7x:2x2x1
jax: 0.10.2.dev20260603
libtpu: 0.0.44.dev20260713+nightly
codegen_flags: <defaults>
</compile_context>

<pallas_src>
import functools

import jax
import jax.numpy as jnp
from jax import lax
from jax.experimental import pallas as pl
from jax.experimental.pallas import tpu as pltpu
from jax.experimental.pallas import tpu_sc as plsc

N = 10000
E = 320000
D = 128

SC_NC = 2
SC_NS = 16
SC_NW = SC_NC * SC_NS
E_PER_W = E // SC_NW
GCHUNK = 80
GSTEPS = E_PER_W // GCHUNK

ROW_BLK_PRE = 2000
ROW_BLK_EDGE = 6400
ROW_BLK_NODE = 2000


def _pre_body(x_ref, wi_ref, wj_ref, px_ref, qx_ref):
    x = x_ref[...]
    px_ref[...] = jnp.dot(x, wi_ref[...], preferred_element_type=jnp.float32)
    qx_ref[...] = jnp.dot(x, wj_ref[...], preferred_element_type=jnp.float32)


def _precompute(x, wi, wj):
    grid = (N // ROW_BLK_PRE,)
    return pl.pallas_call(
        _pre_body,
        grid=grid,
        in_specs=[
            pl.BlockSpec((ROW_BLK_PRE, D), lambda i: (i, 0)),
            pl.BlockSpec((D, D), lambda i: (0, 0)),
            pl.BlockSpec((D, D), lambda i: (0, 0)),
        ],
        out_specs=[
            pl.BlockSpec((ROW_BLK_PRE, D), lambda i: (i, 0)),
            pl.BlockSpec((ROW_BLK_PRE, D), lambda i: (i, 0)),
        ],
        out_shape=[
            jax.ShapeDtypeStruct((N, D), jnp.float32),
            jax.ShapeDtypeStruct((N, D), jnp.float32),
        ],
    )(x, wi, wj)


def _sc_gather_body(px_hbm, qx_hbm, dst_hbm, src_hbm, g_hbm,
                    di_v, si_v, ra0, ra1, rb0, rb1, rc0, rc1,
                    sa0, sa1, sb0, sb1, sc0, sc1):
    wid = lax.axis_index("c") * SC_NS + lax.axis_index("s")
    wbase = wid * E_PER_W
    ras, rbs, rcs = (ra0, ra1), (rb0, rb1), (rc0, rc1)
    sas, sbs, scs = (sa0, sa1), (sb0, sb1), (sc0, sc1)
    pltpu.sync_copy(dst_hbm.at[wid], di_v)
    pltpu.sync_copy(src_hbm.at[wid], si_v)

    def start(it, b):
        pltpu.async_copy(px_hbm.at[di_v.at[it]], ras[b], sas[b])
        pltpu.async_copy(qx_hbm.at[si_v.at[it]], rbs[b], sbs[b])

    def wb_wait(it, b):
        base = wbase + it * GCHUNK
        pltpu.make_async_copy(rcs[b], g_hbm.at[pl.ds(base, GCHUNK)],
                              scs[b]).wait()

    def finish(it, b):
        pltpu.make_async_copy(px_hbm.at[di_v.at[it]], ras[b], sas[b]).wait()
        pltpu.make_async_copy(qx_hbm.at[si_v.at[it]], rbs[b], sbs[b]).wait()

        @pl.when(it >= 2)
        def _():
            wb_wait(it - 2, b)

        ra, rb, rc = ras[b], rbs[b], rcs[b]

        def add_row(r, _):
            for k in range(D // 16):
                sl = pl.ds(k * 16, 16)
                rc[r, sl] = ra[r, sl] + rb[r, sl]
            return ()

        lax.fori_loop(0, GCHUNK, add_row, ())
        base = wbase + it * GCHUNK
        pltpu.async_copy(rc, g_hbm.at[pl.ds(base, GCHUNK)], scs[b])

    start(0, 0)
    start(1, 1)

    def pair(k, _):
        it0 = k * 2
        finish(it0, 0)

        @pl.when(it0 + 2 < GSTEPS)
        def _():
            start(it0 + 2, 0)

        finish(it0 + 1, 1)

        @pl.when(it0 + 3 < GSTEPS)
        def _():
            start(it0 + 3, 1)

        return ()

    lax.fori_loop(0, GSTEPS // 2, pair, ())
    if GSTEPS % 2 == 1:
        finish(GSTEPS - 1, 0)
        wb_wait(GSTEPS - 2, 1)
        wb_wait(GSTEPS - 1, 0)
    else:
        wb_wait(GSTEPS - 2, 0)
        wb_wait(GSTEPS - 1, 1)


@functools.partial(
    pl.kernel,
    out_type=jax.ShapeDtypeStruct((E, D), jnp.float32),
    mesh=plsc.VectorSubcoreMesh(core_axis_name="c", subcore_axis_name="s"),
    scratch_types=[
        pltpu.VMEM((GSTEPS, GCHUNK), jnp.int32),
        pltpu.VMEM((GSTEPS, GCHUNK), jnp.int32),
        pltpu.VMEM((GCHUNK, D), jnp.float32),
        pltpu.VMEM((GCHUNK, D), jnp.float32),
        pltpu.VMEM((GCHUNK, D), jnp.float32),
        pltpu.VMEM((GCHUNK, D), jnp.float32),
        pltpu.VMEM((GCHUNK, D), jnp.float32),
        pltpu.VMEM((GCHUNK, D), jnp.float32),
        pltpu.SemaphoreType.DMA,
        pltpu.SemaphoreType.DMA,
        pltpu.SemaphoreType.DMA,
        pltpu.SemaphoreType.DMA,
        pltpu.SemaphoreType.DMA,
        pltpu.SemaphoreType.DMA,
    ],
)
def _sc_gather(px_hbm, qx_hbm, dst_hbm, src_hbm, g_hbm,
               di_v, si_v, ra0, ra1, rb0, rb1, rc0, rc1,
               sa0, sa1, sb0, sb1, sc0, sc1):
    _sc_gather_body(px_hbm, qx_hbm, dst_hbm, src_hbm, g_hbm,
                    di_v, si_v, ra0, ra1, rb0, rb1, rc0, rc1,
                    sa0, sa1, sb0, sb1, sc0, sc1)


NPAD = 10240
NROWS_PER_TILE = NPAD // SC_NS
SCHUNK = 80
SSTEPS = E_PER_W // SCHUNK


def _sc_scatter_body(edges_hbm, dst_hbm, zs_hbm, out_hbm, idx_v, r0, r1, acc_sh,
                     s0, s1, t0, t1):
    c = lax.axis_index("c")
    s = lax.axis_index("s")
    wid = c * SC_NS + s
    wbase = wid * E_PER_W
    rows, sems, asems = (r0, r1), (s0, s1), (t0, t1)
    pltpu.sync_copy(zs_hbm, acc_sh.at[pl.ds(s * NROWS_PER_TILE, NROWS_PER_TILE)])
    pltpu.sync_copy(dst_hbm.at[wid], idx_v)
    plsc.subcore_barrier()

    def add_wait(it, b):
        pltpu.make_async_copy(rows[b], acc_sh.at[idx_v.at[it]], asems[b]).wait()

    def start(it, b):
        @pl.when(it >= 2)
        def _():
            add_wait(it - 2, b)

        base = wbase + it * SCHUNK
        pltpu.async_copy(edges_hbm.at[pl.ds(base, SCHUNK)], rows[b], sems[b])

    def finish(it, b):
        base = wbase + it * SCHUNK
        pltpu.make_async_copy(edges_hbm.at[pl.ds(base, SCHUNK)], rows[b],
                              sems[b]).wait()
        pltpu.async_copy(rows[b], acc_sh.at[idx_v.at[it]], asems[b], add=True)

    start(0, 0)
    start(1, 1)

    def pair(k, _):
        it0 = k * 2
        finish(it0, 0)

        @pl.when(it0 + 2 < SSTEPS)
        def _():
            start(it0 + 2, 0)

        finish(it0 + 1, 1)

        @pl.when(it0 + 3 < SSTEPS)
        def _():
            start(it0 + 3, 1)

        return ()

    lax.fori_loop(0, SSTEPS // 2, pair, ())
    if SSTEPS % 2 == 1:
        finish(SSTEPS - 1, 0)
        add_wait(SSTEPS - 2, 1)
        add_wait(SSTEPS - 1, 0)
    else:
        add_wait(SSTEPS - 2, 0)
        add_wait(SSTEPS - 1, 1)
    plsc.subcore_barrier()
    pltpu.sync_copy(acc_sh.at[pl.ds(s * NROWS_PER_TILE, NROWS_PER_TILE)],
                    out_hbm.at[pl.ds(c * NPAD + s * NROWS_PER_TILE,
                                     NROWS_PER_TILE)])


@functools.partial(
    pl.kernel,
    out_type=jax.ShapeDtypeStruct((2 * NPAD, D), jnp.float32),
    mesh=plsc.VectorSubcoreMesh(core_axis_name="c", subcore_axis_name="s"),
    scratch_types=[
        pltpu.VMEM((SSTEPS, SCHUNK), jnp.int32),
        pltpu.VMEM((SCHUNK, D), jnp.float32),
        pltpu.VMEM((SCHUNK, D), jnp.float32),
        pltpu.VMEM_SHARED((NPAD, D), jnp.float32),
        pltpu.SemaphoreType.DMA,
        pltpu.SemaphoreType.DMA,
        pltpu.SemaphoreType.DMA,
        pltpu.SemaphoreType.DMA,
    ],
)
def _sc_scatter(edges_hbm, dst_hbm, zs_hbm, out_hbm, idx_v, r0, r1, acc_sh,
                s0, s1, t0, t1):
    _sc_scatter_body(edges_hbm, dst_hbm, zs_hbm, out_hbm, idx_v, r0, r1, acc_sh,
                     s0, s1, t0, t1)


def _edge_body(g_ref, ea_ref, we_ref, b1_ref, w2_ref, b2_ref, ge_ref,
               bbe_ref, out_ref):
    ea = ea_ref[...]
    h = (g_ref[...]
         + jnp.dot(ea, we_ref[...], preferred_element_type=jnp.float32)
         + b1_ref[...])
    h = h * jax.nn.sigmoid(h)
    h = jnp.dot(h, w2_ref[...], preferred_element_type=jnp.float32) + b2_ref[...]
    mu = jnp.mean(h, axis=-1, keepdims=True)
    var = jnp.mean((h - mu) * (h - mu), axis=-1, keepdims=True)
    h = (h - mu) * jax.lax.rsqrt(var + 1e-5) * ge_ref[...] + bbe_ref[...]
    out_ref[...] = h + ea


def _edge_mlp(g, ea, we, b1, w2, b2, ge, bbe):
    grid = (E // ROW_BLK_EDGE,)
    row = lambda i: (i, 0)
    full = lambda i: (0, 0)
    return pl.pallas_call(
        _edge_body,
        grid=grid,
        in_specs=[
            pl.BlockSpec((ROW_BLK_EDGE, D), row),
            pl.BlockSpec((ROW_BLK_EDGE, D), row),
            pl.BlockSpec((D, D), full),
            pl.BlockSpec((1, D), full),
            pl.BlockSpec((D, D), full),
            pl.BlockSpec((1, D), full),
            pl.BlockSpec((1, D), full),
            pl.BlockSpec((1, D), full),
        ],
        out_specs=pl.BlockSpec((ROW_BLK_EDGE, D), row),
        out_shape=jax.ShapeDtypeStruct((E, D), jnp.float32),
    )(g, ea, we, b1, w2, b2, ge, bbe)


def _node_body(x_ref, p0_ref, p1_ref, wa_ref, wb_ref, b1_ref, w2_ref, b2_ref,
               gn_ref, bbn_ref, out_ref):
    x = x_ref[...]
    agg = p0_ref[...] + p1_ref[...]
    h = (jnp.dot(x, wa_ref[...], preferred_element_type=jnp.float32)
         + jnp.dot(agg, wb_ref[...], preferred_element_type=jnp.float32)
         + b1_ref[...])
    h = h * jax.nn.sigmoid(h)
    h = jnp.dot(h, w2_ref[...], preferred_element_type=jnp.float32) + b2_ref[...]
    mu = jnp.mean(h, axis=-1, keepdims=True)
    var = jnp.mean((h - mu) * (h - mu), axis=-1, keepdims=True)
    h = (h - mu) * jax.lax.rsqrt(var + 1e-5) * gn_ref[...] + bbn_ref[...]
    out_ref[...] = h + x


def _node_mlp(x, p0, p1, wa, wb, b1, w2, b2, gn, bbn):
    grid = (N // ROW_BLK_NODE,)
    row = lambda i: (i, 0)
    full = lambda i: (0, 0)
    return pl.pallas_call(
        _node_body,
        grid=grid,
        in_specs=[
            pl.BlockSpec((ROW_BLK_NODE, D), row),
            pl.BlockSpec((ROW_BLK_NODE, D), row),
            pl.BlockSpec((ROW_BLK_NODE, D), row),
            pl.BlockSpec((D, D), full),
            pl.BlockSpec((D, D), full),
            pl.BlockSpec((1, D), full),
            pl.BlockSpec((D, D), full),
            pl.BlockSpec((1, D), full),
            pl.BlockSpec((1, D), full),
            pl.BlockSpec((1, D), full),
        ],
        out_specs=pl.BlockSpec((ROW_BLK_NODE, D), row),
        out_shape=jax.ShapeDtypeStruct((N, D), jnp.float32),
    )(x, p0, p1, wa, wb, b1, w2, b2, gn, bbn)


def kernel(x, edge_attr, edge_index, shapes, we1, be1, we2, be2, ge, bbe,
           wn1, bn1, wn2, bn2, gn, bbn):
    del shapes
    src = edge_index[0]
    dst = edge_index[1]
    wi, wj, we = we1[:D], we1[D:2 * D], we1[2 * D:]
    px, qx = _precompute(x, wi, wj)
    dst3 = dst.reshape(SC_NW, GSTEPS, GCHUNK)
    src3 = src.reshape(SC_NW, GSTEPS, GCHUNK)
    g = _sc_gather(px, qx, dst3, src3)
    edges_new = _edge_mlp(g, edge_attr, we, be1[None, :], we2, be2[None, :],
                          ge[None, :], bbe[None, :])
    zs = jnp.zeros((NROWS_PER_TILE, D), jnp.float32)
    partials = _sc_scatter(edges_new, dst3, zs)
    nodes_new = _node_mlp(x, partials[:N], partials[NPAD:NPAD + N], wn1[:D],
                          wn1[D:], bn1[None, :], wn2, bn2[None, :], gn[None, :],
                          bbn[None, :])
    return nodes_new, edges_new

# --- scband reference (transcript-rebuilt; emitter-appended) ---
"""Pipeline reference for scband-graph-conv-processor-block-27152783245686 (READ-ONLY COPY).

The authoritative reference and input builder live on the scoring server;
editing this copy changes nothing except your own understanding.
"""

import jax, jax.numpy as jnp
import numpy as np

N = 10000
E = 320000
D = 128


def _mlp(h, w1, b1, w2, b2, g, b):
    h = jnp.dot(h, w1) + b1
    h = jax.nn.silu(h)
    h = jnp.dot(h, w2) + b2
    mu = jnp.mean(h, axis=-1, keepdims=True)
    var = jnp.var(h, axis=-1, keepdims=True)
    return (h - mu) / jnp.sqrt(var + 1e-5) * g + b


def setup_inputs(seed: int = 0):
    key = jax.random.key(seed)
    ks = jax.random.split(key, 10)
    x = jax.random.normal(ks[0], (N, D), dtype=jnp.float32)
    edge_attr = jax.random.normal(ks[1], (E, D), dtype=jnp.float32)
    edge_index = jax.random.randint(ks[2], (2, E), 0, N, dtype=jnp.int32)
    shapes = jnp.arange(3, dtype=jnp.int32)
    we1 = jax.random.normal(ks[3], (3 * D, D), dtype=jnp.float32) / np.sqrt(3 * D)
    be1 = jnp.zeros((D,), jnp.float32)
    we2 = jax.random.normal(ks[4], (D, D), dtype=jnp.float32) / np.sqrt(D)
    be2 = jnp.zeros((D,), jnp.float32)
    ge = jnp.ones((D,), jnp.float32)
    bbe = jnp.zeros((D,), jnp.float32)
    wn1 = jax.random.normal(ks[5], (2 * D, D), dtype=jnp.float32) / np.sqrt(2 * D)
    bn1 = jnp.zeros((D,), jnp.float32)
    wn2 = jax.random.normal(ks[6], (D, D), dtype=jnp.float32) / np.sqrt(D)
    bn2 = jnp.zeros((D,), jnp.float32)
    gn = jnp.ones((D,), jnp.float32)
    bbn = jnp.zeros((D,), jnp.float32)
    return {"x": x, "edge_attr": edge_attr, "edge_index": edge_index, "shapes": shapes,
            "we1": we1, "be1": be1, "we2": we2, "be2": be2, "ge": ge, "bbe": bbe,
            "wn1": wn1, "bn1": bn1, "wn2": wn2, "bn2": bn2, "gn": gn, "bbn": bbn}


def reference(x, edge_attr, edge_index, shapes, we1, be1, we2, be2, ge, bbe, wn1, bn1, wn2, bn2, gn, bbn):
    # shapes is only used for distributed sync/shard; with no comm group it is identity.
    src = edge_index[0]
    dst = edge_index[1]
    # PyG convention: x_i = features at target nodes (edge_index[1]), x_j = source (edge_index[0])
    x_i = jnp.take(x, dst, axis=0)
    x_j = jnp.take(x, src, axis=0)
    edges_new = _mlp(jnp.concatenate([x_i, x_j, edge_attr], axis=1), we1, be1, we2, be2, ge, bbe) + edge_attr
    out = jax.ops.segment_sum(edges_new, dst, num_segments=N)
    nodes_new = _mlp(jnp.concatenate([x, out], axis=1), wn1, bn1, wn2, bn2, gn, bbn) + x
    return nodes_new, edges_new

if __name__ == "__main__":
    import jax
    _d = setup_inputs()
    print(jax.jit(kernel)(*tuple(_d.values())))

</pallas_src>

<mosaic_0001>
#map = affine_map<(d0, d1) -> (0, 0)>
#map1 = affine_map<(d0, d1) -> (0, 0, 0)>
module attributes {stable_mosaic.version = 14 : i64} {
  func.func @_sc_scatter(%arg0: i32, %arg1: i32, %arg2: memref<320000x128xf32, #tpu.memory_space<hbm>>, %arg3: memref<32x125x80xi32, #tpu.memory_space<hbm>>, %arg4: memref<640x128xf32, #tpu.memory_space<hbm>>, %arg5: memref<20480x128xf32, #tpu.memory_space<hbm>>, %arg6: memref<125x80xi32, #tpu.memory_space<vmem>>, %arg7: memref<80x128xf32, #tpu.memory_space<vmem>>, %arg8: memref<80x128xf32, #tpu.memory_space<vmem>>, %arg9: memref<10240x128xf32, #tpu.memory_space<vmem_shared>>, %arg10: memref<!tpu.dma_semaphore, #tpu.memory_space<semaphore_mem>>, %arg11: memref<!tpu.dma_semaphore, #tpu.memory_space<semaphore_mem>>, %arg12: memref<!tpu.dma_semaphore, #tpu.memory_space<semaphore_mem>>, %arg13: memref<!tpu.dma_semaphore, #tpu.memory_space<semaphore_mem>>) attributes {dimension_semantics = [#tpu.dimension_semantics<core_parallel>, #tpu.dimension_semantics<subcore_parallel>], iteration_bounds = array<i64: 2, 16>, scalar_prefetch = 0 : i64, scratch_operands = 8 : i64, tpu.core_type = #tpu.core_type<sc_vector_subcore>, window_params = [{transform_indices = #map}, {transform_indices = #map1}, {transform_indices = #map}, {transform_indices = #map}]} {
    %mul3A = arith.constant 16 : i32
    %mul3A_0 = arith.muli %arg0, %mul3A : i32
    %add3A = arith.addi %mul3A_0, %arg1 : i32
    %mul3A_1 = arith.constant 10000 : i32
    %mul3A_2 = arith.muli %add3A, %mul3A_1 : i32
    %mul3A_3 = arith.constant 640 : i32
    %mul3A_4 = arith.muli %arg1, %mul3A_3 : i32
    "tpu.region"() ({
      %run_scoped3A = tpu.sem_alloc : memref<!tpu.dma_semaphore, #tpu.memory_space<semaphore_mem>>
      %dma_start3A_54 = arith.constant 0 : i32
      %dma_start3A_55 = tpu.memref_slice %arg9[%mul3A_4, %dma_start3A_54] : memref<10240x128xf32, #tpu.memory_space<vmem_shared>> -> memref<640x128xf32, #tpu.memory_space<vmem_shared>>
      tpu.enqueue_dma source(%arg4 : memref<640x128xf32, #tpu.memory_space<hbm>>) target(%dma_start3A_55 : memref<640x128xf32, #tpu.memory_space<vmem_shared>>) target_semaphore(%run_scoped3A : memref<!tpu.dma_semaphore, #tpu.memory_space<semaphore_mem>>)
      %dma_wait3A_56 = arith.constant 0 : i32
      %dma_wait3A_57 = tpu.memref_slice %arg9[%mul3A_4, %dma_wait3A_56] : memref<10240x128xf32, #tpu.memory_space<vmem_shared>> -> memref<640x128xf32, #tpu.memory_space<vmem_shared>>
      tpu.wait_dma2 semaphore(%run_scoped3A : memref<!tpu.dma_semaphore, #tpu.memory_space<semaphore_mem>>) src(%arg4 : memref<640x128xf32, #tpu.memory_space<hbm>>) dst(%dma_wait3A_57 : memref<640x128xf32, #tpu.memory_space<vmem_shared>>)
      tpu.yield
    }) : () -> ()
    "tpu.region"() ({
      %run_scoped3A = tpu.sem_alloc : memref<!tpu.dma_semaphore, #tpu.memory_space<semaphore_mem>>
      %dma_start3A_54 = arith.constant 0 : i32
      %dma_start3A_55 = arith.constant 0 : i32
      %dma_start3A_56 = tpu.memref_slice %arg3[%add3A, %dma_start3A_54, %dma_start3A_55] : memref<32x125x80xi32, #tpu.memory_space<hbm>> -> memref<1x125x80xi32, #tpu.memory_space<hbm>>
      %dma_start3A_57 = tpu.memref_squeeze %dma_start3A_56 : memref<1x125x80xi32, #tpu.memory_space<hbm>> -> memref<125x80xi32, #tpu.memory_space<hbm>>
      %dma_start3A_58 = arith.constant 0 : i32
      %dma_start3A_59 = arith.constant 0 : i32
      %dma_start3A_60 = tpu.memref_slice %arg3[%add3A, %dma_start3A_58, %dma_start3A_59] : memref<32x125x80xi32, #tpu.memory_space<hbm>> -> memref<1x125x80xi32, #tpu.memory_space<hbm>>
      %dma_start3A_61 = tpu.memref_squeeze %dma_start3A_60 : memref<1x125x80xi32, #tpu.memory_space<hbm>> -> memref<125x80xi32, #tpu.memory_space<hbm>>
      tpu.enqueue_dma source(%dma_start3A_61 : memref<125x80xi32, #tpu.memory_space<hbm>>) target(%arg6 : memref<125x80xi32, #tpu.memory_space<vmem>>) target_semaphore(%run_scoped3A : memref<!tpu.dma_semaphore, #tpu.memory_space<semaphore_mem>>)
      %dma_wait3A_62 = arith.constant 0 : i32
      %dma_wait3A_63 = arith.constant 0 : i32
      %dma_wait3A_64 = tpu.memref_slice %arg3[%add3A, %dma_wait3A_62, %dma_wait3A_63] : memref<32x125x80xi32, #tpu.memory_space<hbm>> -> memref<1x125x80xi32, #tpu.memory_space<hbm>>
      %dma_wait3A_65 = tpu.memref_squeeze %dma_wait3A_64 : memref<1x125x80xi32, #tpu.memory_space<hbm>> -> memref<125x80xi32, #tpu.memory_space<hbm>>
      %dma_wait3A_66 = arith.constant 0 : i32
      %dma_wait3A_67 = arith.constant 0 : i32
      %dma_wait3A_68 = tpu.memref_slice %arg3[%add3A, %dma_wait3A_66, %dma_wait3A_67] : memref<32x125x80xi32, #tpu.memory_space<hbm>> -> memref<1x125x80xi32, #tpu.memory_space<hbm>>
      %dma_wait3A_69 = tpu.memref_squeeze %dma_wait3A_68 : memref<1x125x80xi32, #tpu.memory_space<hbm>> -> memref<125x80xi32, #tpu.memory_space<hbm>>
      tpu.wait_dma2 semaphore(%run_scoped3A : memref<!tpu.dma_semaphore, #tpu.memory_space<semaphore_mem>>) src(%dma_wait3A_69 : memref<125x80xi32, #tpu.memory_space<hbm>>) dst(%arg6 : memref<125x80xi32, #tpu.memory_space<vmem>>)
      tpu.yield
    }) : () -> ()
    %barrier3A = arith.constant 0 : index
    tpu.barrier barrier_id(%barrier3A)
    %add3A_5 = arith.constant 0 : i32
    %add3A_6 = arith.addi %mul3A_2, %add3A_5 : i32
    %dma_start3A = arith.constant 0 : i32
    %dma_start3A_7 = tpu.memref_slice %arg2[%add3A_6, %dma_start3A] : memref<320000x128xf32, #tpu.memory_space<hbm>> -> memref<80x128xf32, #tpu.memory_space<hbm>>
    %dma_start3A_8 = arith.constant 0 : i32
    %dma_start3A_9 = tpu.memref_slice %arg2[%add3A_6, %dma_start3A_8] : memref<320000x128xf32, #tpu.memory_space<hbm>> -> memref<80x128xf32, #tpu.memory_space<hbm>>
    tpu.enqueue_dma source(%dma_start3A_9 : memref<80x128xf32, #tpu.memory_space<hbm>>) target(%arg7 : memref<80x128xf32, #tpu.memory_space<vmem>>) target_semaphore(%arg10 : memref<!tpu.dma_semaphore, #tpu.memory_space<semaphore_mem>>)
    %add3A_10 = arith.constant 80 : i32
    %add3A_11 = arith.addi %mul3A_2, %add3A_10 : i32
    %dma_start3A_12 = arith.constant 0 : i32
    %dma_start3A_13 = tpu.memref_slice %arg2[%add3A_11, %dma_start3A_12] : memref<320000x128xf32, #tpu.memory_space<hbm>> -> memref<80x128xf32, #tpu.memory_space<hbm>>
    %dma_start3A_14 = arith.constant 0 : i32
    %dma_start3A_15 = tpu.memref_slice %arg2[%add3A_11, %dma_start3A_14] : memref<320000x128xf32, #tpu.memory_space<hbm>> -> memref<80x128xf32, #tpu.memory_space<hbm>>
    tpu.enqueue_dma source(%dma_start3A_15 : memref<80x128xf32, #tpu.memory_space<hbm>>) target(%arg8 : memref<80x128xf32, #tpu.memory_space<vmem>>) target_semaphore(%arg11 : memref<!tpu.dma_semaphore, #tpu.memory_space<semaphore_mem>>)
    %scan3A = arith.constant 0 : i32
    %scan3A_16 = arith.constant 62 : i32
    %scan3A_17 = arith.addi %scan3A, %scan3A_16 : i32
    %scan3A_18 = arith.constant 1 : i32
    scf.for %scan3A_54 = %scan3A to %scan3A_17 step %scan3A_18  : i32 {
      %mul3A_55 = arith.constant 2 : i32
      %mul3A_56 = arith.muli %scan3A_54, %mul3A_55 : i32
      %mul3A_57 = arith.constant 80 : i32
      %mul3A_58 = arith.muli %mul3A_56, %mul3A_57 : i32
      %add3A_59 = arith.addi %mul3A_2, %mul3A_58 : i32
      %dma_wait3A_60 = arith.constant 0 : i32
      %dma_wait3A_61 = tpu.memref_slice %arg2[%add3A_59, %dma_wait3A_60] : memref<320000x128xf32, #tpu.memory_space<hbm>> -> memref<80x128xf32, #tpu.memory_space<hbm>>
      %dma_wait3A_62 = arith.constant 0 : i32
      %dma_wait3A_63 = tpu.memref_slice %arg2[%add3A_59, %dma_wait3A_62] : memref<320000x128xf32, #tpu.memory_space<hbm>> -> memref<80x128xf32, #tpu.memory_space<hbm>>
      tpu.wait_dma2 semaphore(%arg10 : memref<!tpu.dma_semaphore, #tpu.memory_space<semaphore_mem>>) src(%dma_wait3A_63 : memref<80x128xf32, #tpu.memory_space<hbm>>) dst(%arg7 : memref<80x128xf32, #tpu.memory_space<vmem>>)
      %dma_start3A_64 = arith.constant 0 : i32
      %dma_start3A_65 = tpu.memref_slice %arg6[%mul3A_56, %dma_start3A_64] : memref<125x80xi32, #tpu.memory_space<vmem>> -> memref<1x80xi32, #tpu.memory_space<vmem>>
      %dma_start3A_66 = tpu.memref_squeeze %dma_start3A_65 : memref<1x80xi32, #tpu.memory_space<vmem>> -> memref<80xi32, #tpu.memory_space<vmem>>
      %dma_start3A_67 = arith.constant 0 : i32
      %dma_start3A_68 = arith.constant 0 : i32
      %dma_start3A_69 = tpu.memref_slice %arg9[%dma_start3A_67, %dma_start3A_68] : memref<10240x128xf32, #tpu.memory_space<vmem_shared>> -> memref<10240x128xf32, #tpu.memory_space<vmem_shared>>
      tpu.enqueue_indirect_dma source(%arg7 : memref<80x128xf32, #tpu.memory_space<vmem>>) target(%dma_start3A_69 : memref<10240x128xf32, #tpu.memory_space<vmem_shared>>) offsets(%dma_start3A_66 : memref<80xi32, #tpu.memory_space<vmem>>) semaphore(%arg12 : memref<!tpu.dma_semaphore, #tpu.memory_space<semaphore_mem>>) {add = true}
      %add3A_70 = arith.constant 2 : i32
      %add3A_71 = arith.addi %mul3A_56, %add3A_70 : i32
      %lt3A = arith.constant 125 : i32
      %lt3A_72 = arith.cmpi slt, %add3A_71, %lt3A : i32
      %convert_element_type3A = arith.extui %lt3A_72 : i1 to i32
      %cond3A = arith.constant 0 : i32
      %cond3A_73 = arith.cmpi ne, %convert_element_type3A, %cond3A : i32
      scf.if %cond3A_73 {
        %add3A_96 = arith.constant 2 : i32
        %add3A_97 = arith.addi %mul3A_56, %add3A_96 : i32
        %ge3A = arith.constant 2 : i32
        %ge3A_98 = arith.cmpi sge, %add3A_97, %ge3A : i32
        %convert_element_type3A_99 = arith.extui %ge3A_98 : i1 to i32
        %cond3A_100 = arith.constant 0 : i32
        %cond3A_101 = arith.cmpi ne, %convert_element_type3A_99, %cond3A_100 : i32
        scf.if %cond3A_101 {
          %sub3A = arith.constant 2 : i32
          %sub3A_109 = arith.subi %add3A_97, %sub3A : i32
          %dma_wait3A_110 = arith.constant 0 : i32
          %dma_wait3A_111 = tpu.memref_slice %arg6[%sub3A_109, %dma_wait3A_110] : memref<125x80xi32, #tpu.memory_space<vmem>> -> memref<1x80xi32, #tpu.memory_space<vmem>>
          %dma_wait3A_112 = tpu.memref_squeeze %dma_wait3A_111 : memref<1x80xi32, #tpu.memory_space<vmem>> -> memref<80xi32, #tpu.memory_space<vmem>>
          %dma_wait3A_113 = arith.constant 0 : i32
          %dma_wait3A_114 = arith.constant 0 : i32
          %dma_wait3A_115 = tpu.memref_slice %arg9[%dma_wait3A_113, %dma_wait3A_114] : memref<10240x128xf32, #tpu.memory_space<vmem_shared>> -> memref<10240x128xf32, #tpu.memory_space<vmem_shared>>
          tpu.wait_indirect_dma semaphore(%arg12 : memref<!tpu.dma_semaphore, #tpu.memory_space<semaphore_mem>>) src(%arg7 : memref<80x128xf32, #tpu.memory_space<vmem>>) dst(%dma_wait3A_115 : memref<10240x128xf32, #tpu.memory_space<vmem_shared>>)
        } else {
        }
        %mul3A_102 = arith.constant 80 : i32
        %mul3A_103 = arith.muli %add3A_97, %mul3A_102 : i32
        %add3A_104 = arith.addi %mul3A_2, %mul3A_103 : i32
        %dma_start3A_105 = arith.constant 0 : i32
        %dma_start3A_106 = tpu.memref_slice %arg2[%add3A_104, %dma_start3A_105] : memref<320000x128xf32, #tpu.memory_space<hbm>> -> memref<80x128xf32, #tpu.memory_space<hbm>>
        %dma_start3A_107 = arith.constant 0 : i32
        %dma_start3A_108 = tpu.memref_slice %arg2[%add3A_104, %dma_start3A_107] : memref<320000x128xf32, #tpu.memory_space<hbm>> -> memref<80x128xf32, #tpu.memory_space<hbm>>
        tpu.enqueue_dma source(%dma_start3A_108 : memref<80x128xf32, #tpu.memory_space<hbm>>) target(%arg7 : memref<80x128xf32, #tpu.memory_space<vmem>>) target_semaphore(%arg10 : memref<!tpu.dma_semaphore, #tpu.memory_space<semaphore_mem>>)
      } else {
      }
      %add3A_74 = arith.constant 1 : i32
      %add3A_75 = arith.addi %mul3A_56, %add3A_74 : i32
      %mul3A_76 = arith.constant 80 : i32
      %mul3A_77 = arith.muli %add3A_75, %mul3A_76 : i32
      %add3A_78 = arith.addi %mul3A_2, %mul3A_77 : i32
      %dma_wait3A_79 = arith.constant 0 : i32
      %dma_wait3A_80 = tpu.memref_slice %arg2[%add3A_78, %dma_wait3A_79] : memref<320000x128xf32, #tpu.memory_space<hbm>> -> memref<80x128xf32, #tpu.memory_space<hbm>>
      %dma_wait3A_81 = arith.constant 0 : i32
      %dma_wait3A_82 = tpu.memref_slice %arg2[%add3A_78, %dma_wait3A_81] : memref<320000x128xf32, #tpu.memory_space<hbm>> -> memref<80x128xf32, #tpu.memory_space<hbm>>
      tpu.wait_dma2 semaphore(%arg11 : memref<!tpu.dma_semaphore, #tpu.memory_space<semaphore_mem>>) src(%dma_wait3A_82 : memref<80x128xf32, #tpu.memory_space<hbm>>) dst(%arg8 : memref<80x128xf32, #tpu.memory_space<vmem>>)
      %dma_start3A_83 = arith.constant 0 : i32
      %dma_start3A_84 = tpu.memref_slice %arg6[%add3A_75, %dma_start3A_83] : memref<125x80xi32, #tpu.memory_space<vmem>> -> memref<1x80xi32, #tpu.memory_space<vmem>>
      %dma_start3A_85 = tpu.memref_squeeze %dma_start3A_84 : memref<1x80xi32, #tpu.memory_space<vmem>> -> memref<80xi32, #tpu.memory_space<vmem>>
      %dma_start3A_86 = arith.constant 0 : i32
      %dma_start3A_87 = arith.constant 0 : i32
      %dma_start3A_88 = tpu.memref_slice %arg9[%dma_start3A_86, %dma_start3A_87] : memref<10240x128xf32, #tpu.memory_space<vmem_shared>> -> memref<10240x128xf32, #tpu.memory_space<vmem_shared>>
      tpu.enqueue_indirect_dma source(%arg8 : memref<80x128xf32, #tpu.memory_space<vmem>>) target(%dma_start3A_88 : memref<10240x128xf32, #tpu.memory_space<vmem_shared>>) offsets(%dma_start3A_85 : memref<80xi32, #tpu.memory_space<vmem>>) semaphore(%arg13 : memref<!tpu.dma_semaphore, #tpu.memory_space<semaphore_mem>>) {add = true}
      %add3A_89 = arith.constant 3 : i32
      %add3A_90 = arith.addi %mul3A_56, %add3A_89 : i32
      %lt3A_91 = arith.constant 125 : i32
      %lt3A_92 = arith.cmpi slt, %add3A_90, %lt3A_91 : i32
      %convert_element_type3A_93 = arith.extui %lt3A_92 : i1 to i32
      %cond3A_94 = arith.constant 0 : i32
      %cond3A_95 = arith.cmpi ne, %convert_element_type3A_93, %cond3A_94 : i32
      scf.if %cond3A_95 {
        %add3A_96 = arith.constant 3 : i32
        %add3A_97 = arith.addi %mul3A_56, %add3A_96 : i32
        %ge3A = arith.constant 2 : i32
        %ge3A_98 = arith.cmpi sge, %add3A_97, %ge3A : i32
        %convert_element_type3A_99 = arith.extui %ge3A_98 : i1 to i32
        %cond3A_100 = arith.constant 0 : i32
        %cond3A_101 = arith.cmpi ne, %convert_element_type3A_99, %cond3A_100 : i32
        scf.if %cond3A_101 {
          %sub3A = arith.constant 2 : i32
          %sub3A_109 = arith.subi %add3A_97, %sub3A : i32
          %dma_wait3A_110 = arith.constant 0 : i32
          %dma_wait3A_111 = tpu.memref_slice %arg6[%sub3A_109, %dma_wait3A_110] : memref<125x80xi32, #tpu.memory_space<vmem>> -> memref<1x80xi32, #tpu.memory_space<vmem>>
          %dma_wait3A_112 = tpu.memref_squeeze %dma_wait3A_111 : memref<1x80xi32, #tpu.memory_space<vmem>> -> memref<80xi32, #tpu.memory_space<vmem>>
          %dma_wait3A_113 = arith.constant 0 : i32
          %dma_wait3A_114 = arith.constant 0 : i32
          %dma_wait3A_115 = tpu.memref_slice %arg9[%dma_wait3A_113, %dma_wait3A_114] : memref<10240x128xf32, #tpu.memory_space<vmem_shared>> -> memref<10240x128xf32, #tpu.memory_space<vmem_shared>>
          tpu.wait_indirect_dma semaphore(%arg13 : memref<!tpu.dma_semaphore, #tpu.memory_space<semaphore_mem>>) src(%arg8 : memref<80x128xf32, #tpu.memory_space<vmem>>) dst(%dma_wait3A_115 : memref<10240x128xf32, #tpu.memory_space<vmem_shared>>)
        } else {
        }
        %mul3A_102 = arith.constant 80 : i32
        %mul3A_103 = arith.muli %add3A_97, %mul3A_102 : i32
        %add3A_104 = arith.addi %mul3A_2, %mul3A_103 : i32
        %dma_start3A_105 = arith.constant 0 : i32
        %dma_start3A_106 = tpu.memref_slice %arg2[%add3A_104, %dma_start3A_105] : memref<320000x128xf32, #tpu.memory_space<hbm>> -> memref<80x128xf32, #tpu.memory_space<hbm>>
        %dma_start3A_107 = arith.constant 0 : i32
        %dma_start3A_108 = tpu.memref_slice %arg2[%add3A_104, %dma_start3A_107] : memref<320000x128xf32, #tpu.memory_space<hbm>> -> memref<80x128xf32, #tpu.memory_space<hbm>>
        tpu.enqueue_dma source(%dma_start3A_108 : memref<80x128xf32, #tpu.memory_space<hbm>>) target(%arg8 : memref<80x128xf32, #tpu.memory_space<vmem>>) target_semaphore(%arg11 : memref<!tpu.dma_semaphore, #tpu.memory_space<semaphore_mem>>)
      } else {
      }
    }
    %scan3A_19 = arith.constant 62 : i32
    %add3A_20 = arith.constant 9920 : i32
    %add3A_21 = arith.addi %mul3A_2, %add3A_20 : i32
    %dma_wait3A = arith.constant 0 : i32
    %dma_wait3A_22 = tpu.memref_slice %arg2[%add3A_21, %dma_wait3A] : memref<320000x128xf32, #tpu.memory_space<hbm>> -> memref<80x128xf32, #tpu.memory_space<hbm>>
    %dma_wait3A_23 = arith.constant 0 : i32
    %dma_wait3A_24 = tpu.memref_slice %arg2[%add3A_21, %dma_wait3A_23] : memref<320000x128xf32, #tpu.memory_space<hbm>> -> memref<80x128xf32, #tpu.memory_space<hbm>>
    tpu.wait_dma2 semaphore(%arg10 : memref<!tpu.dma_semaphore, #tpu.memory_space<semaphore_mem>>) src(%dma_wait3A_24 : memref<80x128xf32, #tpu.memory_space<hbm>>) dst(%arg7 : memref<80x128xf32, #tpu.memory_space<vmem>>)
    %dma_start3A_25 = arith.constant 124 : i32
    %dma_start3A_26 = arith.constant 0 : i32
    %dma_start3A_27 = tpu.memref_slice %arg6[%dma_start3A_25, %dma_start3A_26] : memref<125x80xi32, #tpu.memory_space<vmem>> -> memref<1x80xi32, #tpu.memory_space<vmem>>
    %dma_start3A_28 = tpu.memref_squeeze %dma_start3A_27 : memref<1x80xi32, #tpu.memory_space<vmem>> -> memref<80xi32, #tpu.memory_space<vmem>>
    %dma_start3A_29 = arith.constant 0 : i32
    %dma_start3A_30 = arith.constant 0 : i32
    %dma_start3A_31 = tpu.memref_slice %arg9[%dma_start3A_29, %dma_start3A_30] : memref<10240x128xf32, #tpu.memory_space<vmem_shared>> -> memref<10240x128xf32, #tpu.memory_space<vmem_shared>>
    tpu.enqueue_indirect_dma source(%arg7 : memref<80x128xf32, #tpu.memory_space<vmem>>) target(%dma_start3A_31 : memref<10240x128xf32, #tpu.memory_space<vmem_shared>>) offsets(%dma_start3A_28 : memref<80xi32, #tpu.memory_space<vmem>>) semaphore(%arg12 : memref<!tpu.dma_semaphore, #tpu.memory_space<semaphore_mem>>) {add = true}
    %dma_wait3A_32 = arith.constant 123 : i32
    %dma_wait3A_33 = arith.constant 0 : i32
    %dma_wait3A_34 = tpu.memref_slice %arg6[%dma_wait3A_32, %dma_wait3A_33] : memref<125x80xi32, #tpu.memory_space<vmem>> -> memref<1x80xi32, #tpu.memory_space<vmem>>
    %dma_wait3A_35 = tpu.memref_squeeze %dma_wait3A_34 : memref<1x80xi32, #tpu.memory_space<vmem>> -> memref<80xi32, #tpu.memory_space<vmem>>
    %dma_wait3A_36 = arith.constant 0 : i32
    %dma_wait3A_37 = arith.constant 0 : i32
    %dma_wait3A_38 = tpu.memref_slice %arg9[%dma_wait3A_36, %dma_wait3A_37] : memref<10240x128xf32, #tpu.memory_space<vmem_shared>> -> memref<10240x128xf32, #tpu.memory_space<vmem_shared>>
    tpu.wait_indirect_dma semaphore(%arg13 : memref<!tpu.dma_semaphore, #tpu.memory_space<semaphore_mem>>) src(%arg8 : memref<80x128xf32, #tpu.memory_space<vmem>>) dst(%dma_wait3A_38 : memref<10240x128xf32, #tpu.memory_space<vmem_shared>>)
    %dma_wait3A_39 = arith.constant 124 : i32
    %dma_wait3A_40 = arith.constant 0 : i32
    %dma_wait3A_41 = tpu.memref_slice %arg6[%dma_wait3A_39, %dma_wait3A_40] : memref<125x80xi32, #tpu.memory_space<vmem>> -> memref<1x80xi32, #tpu.memory_space<vmem>>
    %dma_wait3A_42 = tpu.memref_squeeze %dma_wait3A_41 : memref<1x80xi32, #tpu.memory_space<vmem>> -> memref<80xi32, #tpu.memory_space<vmem>>
    %dma_wait3A_43 = arith.constant 0 : i32
    %dma_wait3A_44 = arith.constant 0 : i32
    %dma_wait3A_45 = tpu.memref_slice %arg9[%dma_wait3A_43, %dma_wait3A_44] : memref<10240x128xf32, #tpu.memory_space<vmem_shared>> -> memref<10240x128xf32, #tpu.memory_space<vmem_shared>>
    tpu.wait_indirect_dma semaphore(%arg12 : memref<!tpu.dma_semaphore, #tpu.memory_space<semaphore_mem>>) src(%arg7 : memref<80x128xf32, #tpu.memory_space<vmem>>) dst(%dma_wait3A_45 : memref<10240x128xf32, #tpu.memory_space<vmem_shared>>)
    %barrier3A_46 = arith.constant 0 : index
    tpu.barrier barrier_id(%barrier3A_46)
    %mul3A_47 = arith.constant 640 : i32
    %mul3A_48 = arith.muli %arg1, %mul3A_47 : i32
    %mul3A_49 = arith.constant 10240 : i32
    %mul3A_50 = arith.muli %arg0, %mul3A_49 : i32
    %mul3A_51 = arith.constant 640 : i32
    %mul3A_52 = arith.muli %arg1, %mul3A_51 : i32
    %add3A_53 = arith.addi %mul3A_50, %mul3A_52 : i32
    "tpu.region"() ({
      %run_scoped3A = tpu.sem_alloc : memref<!tpu.dma_semaphore, #tpu.memory_space<semaphore_mem>>
      %dma_start3A_54 = arith.constant 0 : i32
      %dma_start3A_55 = tpu.memref_slice %arg5[%add3A_53, %dma_start3A_54] : memref<20480x128xf32, #tpu.memory_space<hbm>> -> memref<640x128xf32, #tpu.memory_space<hbm>>
      %dma_start3A_56 = arith.constant 0 : i32
      %dma_start3A_57 = tpu.memref_slice %arg9[%mul3A_48, %dma_start3A_56] : memref<10240x128xf32, #tpu.memory_space<vmem_shared>> -> memref<640x128xf32, #tpu.memory_space<vmem_shared>>
      tpu.enqueue_dma source(%dma_start3A_57 : memref<640x128xf32, #tpu.memory_space<vmem_shared>>) target(%dma_start3A_55 : memref<640x128xf32, #tpu.memory_space<hbm>>) target_semaphore(%run_scoped3A : memref<!tpu.dma_semaphore, #tpu.memory_space<semaphore_mem>>)
      %dma_wait3A_58 = arith.constant 0 : i32
      %dma_wait3A_59 = tpu.memref_slice %arg5[%add3A_53, %dma_wait3A_58] : memref<20480x128xf32, #tpu.memory_space<hbm>> -> memref<640x128xf32, #tpu.memory_space<hbm>>
      %dma_wait3A_60 = arith.constant 0 : i32
      %dma_wait3A_61 = tpu.memref_slice %arg9[%mul3A_48, %dma_wait3A_60] : memref<10240x128xf32, #tpu.memory_space<vmem_shared>> -> memref<640x128xf32, #tpu.memory_space<vmem_shared>>
      tpu.wait_dma2 semaphore(%run_scoped3A : memref<!tpu.dma_semaphore, #tpu.memory_space<semaphore_mem>>) src(%dma_wait3A_61 : memref<640x128xf32, #tpu.memory_space<vmem_shared>>) dst(%dma_wait3A_59 : memref<640x128xf32, #tpu.memory_space<hbm>>)
      tpu.yield
    }) : () -> ()
    return
  }
}

#map = affine_map<(d0, d1) -> (0, 0)>
#map1 = affine_map<(d0, d1) -> (0, 0, 0)>
module attributes {stable_mosaic.version = 14 : i64} {
  func.func @_sc_gather(%arg0: i32, %arg1: i32, %arg2: memref<10000x128xf32, #tpu.memory_space<hbm>>, %arg3: memref<10000x128xf32, #tpu.memory_space<hbm>>, %arg4: memref<32x125x80xi32, #tpu.memory_space<hbm>>, %arg5: memref<32x125x80xi32, #tpu.memory_space<hbm>>, %arg6: memref<320000x128xf32, #tpu.memory_space<hbm>>, %arg7: memref<125x80xi32, #tpu.memory_space<vmem>>, %arg8: memref<125x80xi32, #tpu.memory_space<vmem>>, %arg9: memref<80x128xf32, #tpu.memory_space<vmem>>, %arg10: memref<80x128xf32, #tpu.memory_space<vmem>>, %arg11: memref<80x128xf32, #tpu.memory_space<vmem>>, %arg12: memref<80x128xf32, #tpu.memory_space<vmem>>, %arg13: memref<80x128xf32, #tpu.memory_space<vmem>>, %arg14: memref<80x128xf32, #tpu.memory_space<vmem>>, %arg15: memref<!tpu.dma_semaphore, #tpu.memory_space<semaphore_mem>>, %arg16: memref<!tpu.dma_semaphore, #tpu.memory_space<semaphore_mem>>, %arg17: memref<!tpu.dma_semaphore, #tpu.memory_space<semaphore_mem>>, %arg18: memref<!tpu.dma_semaphore, #tpu.memory_space<semaphore_mem>>, %arg19: memref<!tpu.dma_semaphore, #tpu.memory_space<semaphore_mem>>, %arg20: memref<!tpu.dma_semaphore, #tpu.memory_space<semaphore_mem>>) attributes {dimension_semantics = [#tpu.dimension_semantics<core_parallel>, #tpu.dimension_semantics<subcore_parallel>], iteration_bounds = array<i64: 2, 16>, scalar_prefetch = 0 : i64, scratch_operands = 14 : i64, tpu.core_type = #tpu.core_type<sc_vector_subcore>, window_params = [{transform_indices = #map}, {transform_indices = #map}, {transform_indices = #map1}, {transform_indices = #map1}, {transform_indices = #map}]} {
    %mul3A = arith.constant 16 : i32
    %mul3A_0 = arith.muli %arg0, %mul3A : i32
    %add3A = arith.addi %mul3A_0, %arg1 : i32
    %mul3A_1 = arith.constant 10000 : i32
    %mul3A_2 = arith.muli %add3A, %mul3A_1 : i32
    "tpu.region"() ({
      %run_scoped3A = tpu.sem_alloc : memref<!tpu.dma_semaphore, #tpu.memory_space<semaphore_mem>>
      %dma_start3A_76 = arith.constant 0 : i32
      %dma_start3A_77 = arith.constant 0 : i32
      %dma_start3A_78 = tpu.memref_slice %arg4[%add3A, %dma_start3A_76, %dma_start3A_77] : memref<32x125x80xi32, #tpu.memory_space<hbm>> -> memref<1x125x80xi32, #tpu.memory_space<hbm>>
      %dma_start3A_79 = tpu.memref_squeeze %dma_start3A_78 : memref<1x125x80xi32, #tpu.memory_space<hbm>> -> memref<125x80xi32, #tpu.memory_space<hbm>>
      %dma_start3A_80 = arith.constant 0 : i32
      %dma_start3A_81 = arith.constant 0 : i32
      %dma_start3A_82 = tpu.memref_slice %arg4[%add3A, %dma_start3A_80, %dma_start3A_81] : memref<32x125x80xi32, #tpu.memory_space<hbm>> -> memref<1x125x80xi32, #tpu.memory_space<hbm>>
      %dma_start3A_83 = tpu.memref_squeeze %dma_start3A_82 : memref<1x125x80xi32, #tpu.memory_space<hbm>> -> memref<125x80xi32, #tpu.memory_space<hbm>>
      tpu.enqueue_dma source(%dma_start3A_83 : memref<125x80xi32, #tpu.memory_space<hbm>>) target(%arg7 : memref<125x80xi32, #tpu.memory_space<vmem>>) target_semaphore(%run_scoped3A : memref<!tpu.dma_semaphore, #tpu.memory_space<semaphore_mem>>)
      %dma_wait3A_84 = arith.constant 0 : i32
      %dma_wait3A_85 = arith.constant 0 : i32
      %dma_wait3A_86 = tpu.memref_slice %arg4[%add3A, %dma_wait3A_84, %dma_wait3A_85] : memref<32x125x80xi32, #tpu.memory_space<hbm>> -> memref<1x125x80xi32, #tpu.memory_space<hbm>>
      %dma_wait3A_87 = tpu.memref_squeeze %dma_wait3A_86 : memref<1x125x80xi32, #tpu.memory_space<hbm>> -> memref<125x80xi32, #tpu.memory_space<hbm>>
      %dma_wait3A_88 = arith.constant 0 : i32
      %dma_wait3A_89 = arith.constant 0 : i32
      %dma_wait3A_90 = tpu.memref_slice %arg4[%add3A, %dma_wait3A_88, %dma_wait3A_89] : memref<32x125x80xi32, #tpu.memory_space<hbm>> -> memref<1x125x80xi32, #tpu.memory_space<hbm>>
      %dma_wait3A_91 = tpu.memref_squeeze %dma_wait3A_90 : memref<1x125x80xi32, #tpu.memory_space<hbm>> -> memref<125x80xi32, #tpu.memory_space<hbm>>
      tpu.wait_dma2 semaphore(%run_scoped3A : memref<!tpu.dma_semaphore, #tpu.memory_space<semaphore_mem>>) src(%dma_wait3A_91 : memref<125x80xi32, #tpu.memory_space<hbm>>) dst(%arg7 : memref<125x80xi32, #tpu.memory_space<vmem>>)
      tpu.yield
    }) : () -> ()
    "tpu.region"() ({
      %run_scoped3A = tpu.sem_alloc : memref<!tpu.dma_semaphore, #tpu.memory_space<semaphore_mem>>
      %dma_start3A_76 = arith.constant 0 : i32
      %dma_start3A_77 = arith.constant 0 : i32
      %dma_start3A_78 = tpu.memref_slice %arg5[%add3A, %dma_start3A_76, %dma_start3A_77] : memref<32x125x80xi32, #tpu.memory_space<hbm>> -> memref<1x125x80xi32, #tpu.memory_space<hbm>>
      %dma_start3A_79 = tpu.memref_squeeze %dma_start3A_78 : memref<1x125x80xi32, #tpu.memory_space<hbm>> -> memref<125x80xi32, #tpu.memory_space<hbm>>
      %dma_start3A_80 = arith.constant 0 : i32
      %dma_start3A_81 = arith.constant 0 : i32
      %dma_start3A_82 = tpu.memref_slice %arg5[%add3A, %dma_start3A_80, %dma_start3A_81] : memref<32x125x80xi32, #tpu.memory_space<hbm>> -> memref<1x125x80xi32, #tpu.memory_space<hbm>>
      %dma_start3A_83 = tpu.memref_squeeze %dma_start3A_82 : memref<1x125x80xi32, #tpu.memory_space<hbm>> -> memref<125x80xi32, #tpu.memory_space<hbm>>
      tpu.enqueue_dma source(%dma_start3A_83 : memref<125x80xi32, #tpu.memory_space<hbm>>) target(%arg8 : memref<125x80xi32, #tpu.memory_space<vmem>>) target_semaphore(%run_scoped3A : memref<!tpu.dma_semaphore, #tpu.memory_space<semaphore_mem>>)
      %dma_wait3A_84 = arith.constant 0 : i32
      %dma_wait3A_85 = arith.constant 0 : i32
      %dma_wait3A_86 = tpu.memref_slice %arg5[%add3A, %dma_wait3A_84, %dma_wait3A_85] : memref<32x125x80xi32, #tpu.memory_space<hbm>> -> memref<1x125x80xi32, #tpu.memory_space<hbm>>
      %dma_wait3A_87 = tpu.memref_squeeze %dma_wait3A_86 : memref<1x125x80xi32, #tpu.memory_space<hbm>> -> memref<125x80xi32, #tpu.memory_space<hbm>>
      %dma_wait3A_88 = arith.constant 0 : i32
      %dma_wait3A_89 = arith.constant 0 : i32
      %dma_wait3A_90 = tpu.memref_slice %arg5[%add3A, %dma_wait3A_88, %dma_wait3A_89] : memref<32x125x80xi32, #tpu.memory_space<hbm>> -> memref<1x125x80xi32, #tpu.memory_space<hbm>>
      %dma_wait3A_91 = tpu.memref_squeeze %dma_wait3A_90 : memref<1x125x80xi32, #tpu.memory_space<hbm>> -> memref<125x80xi32, #tpu.memory_space<hbm>>
      tpu.wait_dma2 semaphore(%run_scoped3A : memref<!tpu.dma_semaphore, #tpu.memory_space<semaphore_mem>>) src(%dma_wait3A_91 : memref<125x80xi32, #tpu.memory_space<hbm>>) dst(%arg8 : memref<125x80xi32, #tpu.memory_space<vmem>>)
      tpu.yield
    }) : () -> ()
    %dma_start3A = arith.constant 0 : i32
    %dma_start3A_3 = arith.constant 0 : i32
    %dma_start3A_4 = tpu.memref_slice %arg7[%dma_start3A, %dma_start3A_3] : memref<125x80xi32, #tpu.memory_space<vmem>> -> memref<1x80xi32, #tpu.memory_space<vmem>>
    %dma_start3A_5 = tpu.memref_squeeze %dma_start3A_4 : memref<1x80xi32, #tpu.memory_space<vmem>> -> memref<80xi32, #tpu.memory_space<vmem>>
    %dma_start3A_6 = arith.constant 0 : i32
    %dma_start3A_7 = arith.constant 0 : i32
    %dma_start3A_8 = tpu.memref_slice %arg2[%dma_start3A_6, %dma_start3A_7] : memref<10000x128xf32, #tpu.memory_space<hbm>> -> memref<10000x128xf32, #tpu.memory_space<hbm>>
    tpu.enqueue_indirect_dma source(%dma_start3A_8 : memref<10000x128xf32, #tpu.memory_space<hbm>>) target(%arg9 : memref<80x128xf32, #tpu.memory_space<vmem>>) offsets(%dma_start3A_5 : memref<80xi32, #tpu.memory_space<vmem>>) semaphore(%arg15 : memref<!tpu.dma_semaphore, #tpu.memory_space<semaphore_mem>>)
    %dma_start3A_9 = arith.constant 0 : i32
    %dma_start3A_10 = arith.constant 0 : i32
    %dma_start3A_11 = tpu.memref_slice %arg8[%dma_start3A_9, %dma_start3A_10] : memref<125x80xi32, #tpu.memory_space<vmem>> -> memref<1x80xi32, #tpu.memory_space<vmem>>
    %dma_start3A_12 = tpu.memref_squeeze %dma_start3A_11 : memref<1x80xi32, #tpu.memory_space<vmem>> -> memref<80xi32, #tpu.memory_space<vmem>>
    %dma_start3A_13 = arith.constant 0 : i32
    %dma_start3A_14 = arith.constant 0 : i32
    %dma_start3A_15 = tpu.memref_slice %arg3[%dma_start3A_13, %dma_start3A_14] : memref<10000x128xf32, #tpu.memory_space<hbm>> -> memref<10000x128xf32, #tpu.memory_space<hbm>>
    tpu.enqueue_indirect_dma source(%dma_start3A_15 : memref<10000x128xf32, #tpu.memory_space<hbm>>) target(%arg11 : memref<80x128xf32, #tpu.memory_space<vmem>>) offsets(%dma_start3A_12 : memref<80xi32, #tpu.memory_space<vmem>>) semaphore(%arg17 : memref<!tpu.dma_semaphore, #tpu.memory_space<semaphore_mem>>)
    %dma_start3A_16 = arith.constant 1 : i32
    %dma_start3A_17 = arith.constant 0 : i32
    %dma_start3A_18 = tpu.memref_slice %arg7[%dma_start3A_16, %dma_start3A_17] : memref<125x80xi32, #tpu.memory_space<vmem>> -> memref<1x80xi32, #tpu.memory_space<vmem>>
    %dma_start3A_19 = tpu.memref_squeeze %dma_start3A_18 : memref<1x80xi32, #tpu.memory_space<vmem>> -> memref<80xi32, #tpu.memory_space<vmem>>
    %dma_start3A_20 = arith.constant 0 : i32
    %dma_start3A_21 = arith.constant 0 : i32
    %dma_start3A_22 = tpu.memref_slice %arg2[%dma_start3A_20, %dma_start3A_21] : memref<10000x128xf32, #tpu.memory_space<hbm>> -> memref<10000x128xf32, #tpu.memory_space<hbm>>
    tpu.enqueue_indirect_dma source(%dma_start3A_22 : memref<10000x128xf32, #tpu.memory_space<hbm>>) target(%arg10 : memref<80x128xf32, #tpu.memory_space<vmem>>) offsets(%dma_start3A_19 : memref<80xi32, #tpu.memory_space<vmem>>) semaphore(%arg16 : memref<!tpu.dma_semaphore, #tpu.memory_space<semaphore_mem>>)
    %dma_start3A_23 = arith.constant 1 : i32
    %dma_start3A_24 = arith.constant 0 : i32
    %dma_start3A_25 = tpu.memref_slice %arg8[%dma_start3A_23, %dma_start3A_24] : memref<125x80xi32, #tpu.memory_space<vmem>> -> memref<1x80xi32, #tpu.memory_space<vmem>>
    %dma_start3A_26 = tpu.memref_squeeze %dma_start3A_25 : memref<1x80xi32, #tpu.memory_space<vmem>> -> memref<80xi32, #tpu.memory_space<vmem>>
    %dma_start3A_27 = arith.constant 0 : i32
    %dma_start3A_28 = arith.constant 0 : i32
    %dma_start3A_29 = tpu.memref_slice %arg3[%dma_start3A_27, %dma_start3A_28] : memref<10000x128xf32, #tpu.memory_space<hbm>> -> memref<10000x128xf32, #tpu.memory_space<hbm>>
    tpu.enqueue_indirect_dma source(%dma_start3A_29 : memref<10000x128xf32, #tpu.memory_space<hbm>>) target(%arg12 : memref<80x128xf32, #tpu.memory_space<vmem>>) offsets(%dma_start3A_26 : memref<80xi32, #tpu.memory_space<vmem>>) semaphore(%arg18 : memref<!tpu.dma_semaphore, #tpu.memory_space<semaphore_mem>>)
    %scan3A = arith.constant 0 : i32
    %scan3A_30 = arith.constant 62 : i32
    %scan3A_31 = arith.addi %scan3A, %scan3A_30 : i32
    %scan3A_32 = arith.constant 1 : i32
    scf.for %scan3A_76 = %scan3A to %scan3A_31 step %scan3A_32  : i32 {
      %mul3A_77 = arith.constant 2 : i32
      %mul3A_78 = arith.muli %scan3A_76, %mul3A_77 : i32
      %dma_wait3A_79 = arith.constant 0 : i32
      %dma_wait3A_80 = tpu.memref_slice %arg7[%mul3A_78, %dma_wait3A_79] : memref<125x80xi32, #tpu.memory_space<vmem>> -> memref<1x80xi32, #tpu.memory_space<vmem>>
      %dma_wait3A_81 = tpu.memref_squeeze %dma_wait3A_80 : memref<1x80xi32, #tpu.memory_space<vmem>> -> memref<80xi32, #tpu.memory_space<vmem>>
      %dma_wait3A_82 = arith.constant 0 : i32
      %dma_wait3A_83 = arith.constant 0 : i32
      %dma_wait3A_84 = tpu.memref_slice %arg2[%dma_wait3A_82, %dma_wait3A_83] : memref<10000x128xf32, #tpu.memory_space<hbm>> -> memref<10000x128xf32, #tpu.memory_space<hbm>>
      tpu.wait_indirect_dma semaphore(%arg15 : memref<!tpu.dma_semaphore, #tpu.memory_space<semaphore_mem>>) src(%dma_wait3A_84 : memref<10000x128xf32, #tpu.memory_space<hbm>>) dst(%arg9 : memref<80x128xf32, #tpu.memory_space<vmem>>)
      %dma_wait3A_85 = arith.constant 0 : i32
      %dma_wait3A_86 = tpu.memref_slice %arg8[%mul3A_78, %dma_wait3A_85] : memref<125x80xi32, #tpu.memory_space<vmem>> -> memref<1x80xi32, #tpu.memory_space<vmem>>
      %dma_wait3A_87 = tpu.memref_squeeze %dma_wait3A_86 : memref<1x80xi32, #tpu.memory_space<vmem>> -> memref<80xi32, #tpu.memory_space<vmem>>
      %dma_wait3A_88 = arith.constant 0 : i32
      %dma_wait3A_89 = arith.constant 0 : i32
      %dma_wait3A_90 = tpu.memref_slice %arg3[%dma_wait3A_88, %dma_wait3A_89] : memref<10000x128xf32, #tpu.memory_space<hbm>> -> memref<10000x128xf32, #tpu.memory_space<hbm>>
      tpu.wait_indirect_dma semaphore(%arg17 : memref<!tpu.dma_semaphore, #tpu.memory_space<semaphore_mem>>) src(%dma_wait3A_90 : memref<10000x128xf32, #tpu.memory_space<hbm>>) dst(%arg11 : memref<80x128xf32, #tpu.memory_space<vmem>>)
      %ge3A = arith.constant 2 : i32
      %ge3A_91 = arith.cmpi sge, %mul3A_78, %ge3A : i32
      %convert_element_type3A = arith.extui %ge3A_91 : i1 to i32
      %cond3A = arith.constant 0 : i32
      %cond3A_92 = arith.cmpi ne, %convert_element_type3A, %cond3A : i32
      scf.if %cond3A_92 {
        %sub3A = arith.constant 2 : i32
        %sub3A_149 = arith.subi %mul3A_78, %sub3A : i32
        %mul3A_150 = arith.constant 80 : i32
        %mul3A_151 = arith.muli %sub3A_149, %mul3A_150 : i32
        %add3A_152 = arith.addi %mul3A_2, %mul3A_151 : i32
        %dma_wait3A_153 = arith.constant 0 : i32
        %dma_wait3A_154 = tpu.memref_slice %arg6[%add3A_152, %dma_wait3A_153] : memref<320000x128xf32, #tpu.memory_space<hbm>> -> memref<80x128xf32, #tpu.memory_space<hbm>>
        %dma_wait3A_155 = arith.constant 0 : i32
        %dma_wait3A_156 = tpu.memref_slice %arg6[%add3A_152, %dma_wait3A_155] : memref<320000x128xf32, #tpu.memory_space<hbm>> -> memref<80x128xf32, #tpu.memory_space<hbm>>
        tpu.wait_dma2 semaphore(%arg19 : memref<!tpu.dma_semaphore, #tpu.memory_space<semaphore_mem>>) src(%arg13 : memref<80x128xf32, #tpu.memory_space<vmem>>) dst(%dma_wait3A_156 : memref<80x128xf32, #tpu.memory_space<hbm>>)
      } else {
      }
      %scan3A_93 = arith.constant 0 : i32
      %scan3A_94 = arith.constant 80 : i32
      %scan3A_95 = arith.addi %scan3A_93, %scan3A_94 : i32
      %scan3A_96 = arith.constant 1 : i32
      scf.for %scan3A_149 = %scan3A_93 to %scan3A_95 step %scan3A_96  : i32 {
        %get3A = arith.index_cast %scan3A_149 : i32 to index
        %get3A_150 = arith.constant 0 : index
        %get3A_151 = tpu.vector_load %arg9[%get3A, %get3A_150] {strides = array<i32>} : memref<80x128xf32, #tpu.memory_space<vmem>>, vector<1x16xf32>,
        %get3A_152 = vector.shape_cast %get3A_151 : vector<1x16xf32> to vector<16xf32>
        %get3A_153 = arith.index_cast %scan3A_149 : i32 to index
        %get3A_154 = arith.constant 0 : index
        %get3A_155 = tpu.vector_load %arg11[%get3A_153, %get3A_154] {strides = array<i32>} : memref<80x128xf32, #tpu.memory_space<vmem>>, vector<1x16xf32>,
        %get3A_156 = vector.shape_cast %get3A_155 : vector<1x16xf32> to vector<16xf32>
        %add3A_157 = arith.addf %get3A_152, %get3A_156 : vector<16xf32>
        %swap3A = arith.index_cast %scan3A_149 : i32 to index
        %swap3A_158 = arith.constant 0 : index
        %swap3A_159 = tpu.vector_load %arg13[%swap3A, %swap3A_158] {strides = array<i32>} : memref<80x128xf32, #tpu.memory_space<vmem>>, vector<1x16xf32>,
        %swap3A_160 = vector.shape_cast %swap3A_159 : vector<1x16xf32> to vector<16xf32>
        %swap3A_161 = vector.shape_cast %add3A_157 : vector<16xf32> to vector<1x16xf32>
        tpu.vector_store %arg13[%swap3A, %swap3A_158], %swap3A_161 {strides = array<i32>} : memref<80x128xf32, #tpu.memory_space<vmem>>, vector<1x16xf32>,
        %get3A_162 = arith.index_cast %scan3A_149 : i32 to index
        %get3A_163 = arith.constant 16 : index
        %get3A_164 = tpu.vector_load %arg9[%get3A_162, %get3A_163] {strides = array<i32>} : memref<80x128xf32, #tpu.memory_space<vmem>>, vector<1x16xf32>,
        %get3A_165 = vector.shape_cast %get3A_164 : vector<1x16xf32> to vector<16xf32>
        %get3A_166 = arith.index_cast %scan3A_149 : i32 to index
        %get3A_167 = arith.constant 16 : index
        %get3A_168 = tpu.vector_load %arg11[%get3A_166, %get3A_167] {strides = array<i32>} : memref<80x128xf32, #tpu.memory_space<vmem>>, vector<1x16xf32>,
        %get3A_169 = vector.shape_cast %get3A_168 : vector<1x16xf32> to vector<16xf32>
        %add3A_170 = arith.addf %get3A_165, %get3A_169 : vector<16xf32>
        %swap3A_171 = arith.index_cast %scan3A_149 : i32 to index
        %swap3A_172 = arith.constant 16 : index
        %swap3A_173 = tpu.vector_load %arg13[%swap3A_171, %swap3A_172] {strides = array<i32>} : memref<80x128xf32, #tpu.memory_space<vmem>>, vector<1x16xf32>,
        %swap3A_174 = vector.shape_cast %swap3A_173 : vector<1x16xf32> to vector<16xf32>
        %swap3A_175 = vector.shape_cast %add3A_170 : vector<16xf32> to vector<1x16xf32>
        tpu.vector_store %arg13[%swap3A_171, %swap3A_172], %swap3A_175 {strides = array<i32>} : memref<80x128xf32, #tpu.memory_space<vmem>>, vector<1x16xf32>,
        %get3A_176 = arith.index_cast %scan3A_149 : i32 to index
        %get3A_177 = arith.constant 32 : index
        %get3A_178 = tpu.vector_load %arg9[%get3A_176, %get3A_177] {strides = array<i32>} : memref<80x128xf32, #tpu.memory_space<vmem>>, vector<1x16xf32>,
        %get3A_179 = vector.shape_cast %get3A_178 : vector<1x16xf32> to vector<16xf32>
        %get3A_180 = arith.index_cast %scan3A_149 : i32 to index
        %get3A_181 = arith.constant 32 : index
        %get3A_182 = tpu.vector_load %arg11[%get3A_180, %get3A_181] {strides = array<i32>} : memref<80x128xf32, #tpu.memory_space<vmem>>, vector<1x16xf32>,
        %get3A_183 = vector.shape_cast %get3A_182 : vector<1x16xf32> to vector<16xf32>
        %add3A_184 = arith.addf %get3A_179, %get3A_183 : vector<16xf32>
        %swap3A_185 = arith.index_cast %scan3A_149 : i32 to index
        %swap3A_186 = arith.constant 32 : index
        %swap3A_187 = tpu.vector_load %arg13[%swap3A_185, %swap3A_186] {strides = array<i32>} : memref<80x128xf32, #tpu.memory_space<vmem>>, vector<1x16xf32>,
        %swap3A_188 = vector.shape_cast %swap3A_187 : vector<1x16xf32> to vector<16xf32>
        %swap3A_189 = vector.shape_cast %add3A_184 : vector<16xf32> to vector<1x16xf32>
        tpu.vector_store %arg13[%swap3A_185, %swap3A_186], %swap3A_189 {strides = array<i32>} : memref<80x128xf32, #tpu.memory_space<vmem>>, vector<1x16xf32>,
        %get3A_190 = arith.index_cast %scan3A_149 : i32 to index
        %get3A_191 = arith.constant 48 : index
        %get3A_192 = tpu.vector_load %arg9[%get3A_190, %get3A_191] {strides = array<i32>} : memref<80x128xf32, #tpu.memory_space<vmem>>, vector<1x16xf32>,
        %get3A_193 = vector.shape_cast %get3A_192 : vector<1x16xf32> to vector<16xf32>
        %get3A_194 = arith.index_cast %scan3A_149 : i32 to index
        %get3A_195 = arith.constant 48 : index
        %get3A_196 = tpu.vector_load %arg11[%get3A_194, %get3A_195] {strides = array<i32>} : memref<80x128xf32, #tpu.memory_space<vmem>>, vector<1x16xf32>,
        %get3A_197 = vector.shape_cast %get3A_196 : vector<1x16xf32> to vector<16xf32>
        %add3A_198 = arith.addf %get3A_193, %get3A_197 : vector<16xf32>
        %swap3A_199 = arith.index_cast %scan3A_149 : i32 to index
        %swap3A_200 = arith.constant 48 : index
        %swap3A_201 = tpu.vector_load %arg13[%swap3A_199, %swap3A_200] {strides = array<i32>} : memref<80x128xf32, #tpu.memory_space<vmem>>, vector<1x16xf32>,
        %swap3A_202 = vector.shape_cast %swap3A_201 : vector<1x16xf32> to vector<16xf32>
        %swap3A_203 = vector.shape_cast %add3A_198 : vector<16xf32> to vector<1x16xf32>
        tpu.vector_store %arg13[%swap3A_199, %swap3A_200], %swap3A_203 {strides = array<i32>} : memref<80x128xf32, #tpu.memory_space<vmem>>, vector<1x16xf32>,
        %get3A_204 = arith.index_cast %scan3A_149 : i32 to index
        %get3A_205 = arith.constant 64 : index
        %get3A_206 = tpu.vector_load %arg9[%get3A_204, %get3A_205] {strides = array<i32>} : memref<80x128xf32, #tpu.memory_space<vmem>>, vector<1x16xf32>,
        %get3A_207 = vector.shape_cast %get3A_206 : vector<1x16xf32> to vector<16xf32>
        %get3A_208 = arith.index_cast %scan3A_149 : i32 to index
        %get3A_209 = arith.constant 64 : index
        %get3A_210 = tpu.vector_load %arg11[%get3A_208, %get3A_209] {strides = array<i32>} : memref<80x128xf32, #tpu.memory_space<vmem>>, vector<1x16xf32>,
        %get3A_211 = vector.shape_cast %get3A_210 : vector<1x16xf32> to vector<16xf32>
        %add3A_212 = arith.addf %get3A_207, %get3A_211 : vector<16xf32>
        %swap3A_213 = arith.index_cast %scan3A_149 : i32 to index
        %swap3A_214 = arith.constant 64 : index
        %swap3A_215 = tpu.vector_load %arg13[%swap3A_213, %swap3A_214] {strides = array<i32>} : memref<80x128xf32, #tpu.memory_space<vmem>>, vector<1x16xf32>,
        %swap3A_216 = vector.shape_cast %swap3A_215 : vector<1x16xf32> to vector<16xf32>
        %swap3A_217 = vector.shape_cast %add3A_212 : vector<16xf32> to vector<1x16xf32>
        tpu.vector_store %arg13[%swap3A_213, %swap3A_214], %swap3A_217 {strides = array<i32>} : memref<80x128xf32, #tpu.memory_space<vmem>>, vector<1x16xf32>,
        %get3A_218 = arith.index_cast %scan3A_149 : i32 to index
        %get3A_219 = arith.constant 80 : index
        %get3A_220 = tpu.vector_load %arg9[%get3A_218, %get3A_219] {strides = array<i32>} : memref<80x128xf32, #tpu.memory_space<vmem>>, vector<1x16xf32>,
        %get3A_221 = vector.shape_cast %get3A_220 : vector<1x16xf32> to vector<16xf32>
        %get3A_222 = arith.index_cast %scan3A_149 : i32 to index
        %get3A_223 = arith.constant 80 : index
        %get3A_224 = tpu.vector_load %arg11[%get3A_222, %get3A_223] {strides = array<i32>} : memref<80x128xf32, #tpu.memory_space<vmem>>, vector<1x16xf32>,
        %get3A_225 = vector.shape_cast %get3A_224 : vector<1x16xf32> to vector<16xf32>
        %add3A_226 = arith.addf %get3A_221, %get3A_225 : vector<16xf32>
        %swap3A_227 = arith.index_cast %scan3A_149 : i32 to index
        %swap3A_228 = arith.constant 80 : index
        %swap3A_229 = tpu.vector_load %arg13[%swap3A_227, %swap3A_228] {strides = array<i32>} : memref<80x128xf32, #tpu.memory_space<vmem>>, vector<1x16xf32>,
        %swap3A_230 = vector.shape_cast %swap3A_229 : vector<1x16xf32> to vector<16xf32>
        %swap3A_231 = vector.shape_cast %add3A_226 : vector<16xf32> to vector<1x16xf32>
        tpu.vector_store %arg13[%swap3A_227, %swap3A_228], %swap3A_231 {strides = array<i32>} : memref<80x128xf32, #tpu.memory_space<vmem>>, vector<1x16xf32>,
        %get3A_232 = arith.index_cast %scan3A_149 : i32 to index
        %get3A_233 = arith.constant 96 : index
        %get3A_234 = tpu.vector_load %arg9[%get3A_232, %get3A_233] {strides = array<i32>} : memref<80x128xf32, #tpu.memory_space<vmem>>, vector<1x16xf32>,
        %get3A_235 = vector.shape_cast %get3A_234 : vector<1x16xf32> to vector<16xf32>
        %get3A_236 = arith.index_cast %scan3A_149 : i32 to index
        %get3A_237 = arith.constant 96 : index
        %get3A_238 = tpu.vector_load %arg11[%get3A_236, %get3A_237] {strides = array<i32>} : memref<80x128xf32, #tpu.memory_space<vmem>>, vector<1x16xf32>,
        %get3A_239 = vector.shape_cast %get3A_238 : vector<1x16xf32> to vector<16xf32>
        %add3A_240 = arith.addf %get3A_235, %get3A_239 : vector<16xf32>
        %swap3A_241 = arith.index_cast %scan3A_149 : i32 to index
        %swap3A_242 = arith.constant 96 : index
        %swap3A_243 = tpu.vector_load %arg13[%swap3A_241, %swap3A_242] {strides = array<i32>} : memref<80x128xf32, #tpu.memory_space<vmem>>, vector<1x16xf32>,
        %swap3A_244 = vector.shape_cast %swap3A_243 : vector<1x16xf32> to vector<16xf32>
        %swap3A_245 = vector.shape_cast %add3A_240 : vector<16xf32> to vector<1x16xf32>
        tpu.vector_store %arg13[%swap3A_241, %swap3A_242], %swap3A_245 {strides = array<i32>} : memref<80x128xf32, #tpu.memory_space<vmem>>, vector<1x16xf32>,
        %get3A_246 = arith.index_cast %scan3A_149 : i32 to index
        %get3A_247 = arith.constant 112 : index
        %get3A_248 = tpu.vector_load %arg9[%get3A_246, %get3A_247] {strides = array<i32>} : memref<80x128xf32, #tpu.memory_space<vmem>>, vector<1x16xf32>,
        %get3A_249 = vector.shape_cast %get3A_248 : vector<1x16xf32> to vector<16xf32>
        %get3A_250 = arith.index_cast %scan3A_149 : i32 to index
        %get3A_251 = arith.constant 112 : index
        %get3A_252 = tpu.vector_load %arg11[%get3A_250, %get3A_251] {strides = array<i32>} : memref<80x128xf32, #tpu.memory_space<vmem>>, vector<1x16xf32>,
        %get3A_253 = vector.shape_cast %get3A_252 : vector<1x16xf32> to vector<16xf32>
        %add3A_254 = arith.addf %get3A_249, %get3A_253 : vector<16xf32>
        %swap3A_255 = arith.index_cast %scan3A_149 : i32 to index
        %swap3A_256 = arith.constant 112 : index
        %swap3A_257 = tpu.vector_load %arg13[%swap3A_255, %swap3A_256] {strides = array<i32>} : memref<80x128xf32, #tpu.memory_space<vmem>>, vector<1x16xf32>,
        %swap3A_258 = vector.shape_cast %swap3A_257 : vector<1x16xf32> to vector<16xf32>
        %swap3A_259 = vector.shape_cast %add3A_254 : vector<16xf32> to vector<1x16xf32>
        tpu.vector_store %arg13[%swap3A_255, %swap3A_256], %swap3A_259 {strides = array<i32>} : memref<80x128xf32, #tpu.memory_space<vmem>>, vector<1x16xf32>,
      }
      %scan3A_97 = arith.constant 80 : i32
      %mul3A_98 = arith.constant 80 : i32
      %mul3A_99 = arith.muli %mul3A_78, %mul3A_98 : i32
      %add3A_100 = arith.addi %mul3A_2, %mul3A_99 : i32
      %dma_start3A_101 = arith.constant 0 : i32
      %dma_start3A_102 = tpu.memref_slice %arg6[%add3A_100, %dma_start3A_101] : memref<320000x128xf32, #tpu.memory_space<hbm>> -> memref<80x128xf32, #tpu.memory_space<hbm>>
      %dma_start3A_103 = arith.constant 0 : i32
      %dma_start3A_104 = tpu.memref_slice %arg6[%add3A_100, %dma_start3A_103] : memref<320000x128xf32, #tpu.memory_space<hbm>> -> memref<80x128xf32, #tpu.memory_space<hbm>>
      tpu.enqueue_dma source(%arg13 : memref<80x128xf32, #tpu.memory_space<vmem>>) target(%dma_start3A_104 : memref<80x128xf32, #tpu.memory_space<hbm>>) target_semaphore(%arg19 : memref<!tpu.dma_semaphore, #tpu.memory_space<semaphore_mem>>)
      %add3A_105 = arith.constant 2 : i32
      %add3A_106 = arith.addi %mul3A_78, %add3A_105 : i32
      %lt3A = arith.constant 125 : i32
      %lt3A_107 = arith.cmpi slt, %add3A_106, %lt3A : i32
      %convert_element_type3A_108 = arith.extui %lt3A_107 : i1 to i32
      %cond3A_109 = arith.constant 0 : i32
      %cond3A_110 = arith.cmpi ne, %convert_element_type3A_108, %cond3A_109 : i32
      scf.if %cond3A_110 {
        %add3A_149 = arith.constant 2 : i32
        %add3A_150 = arith.addi %mul3A_78, %add3A_149 : i32
        %dma_start3A_151 = arith.constant 0 : i32
        %dma_start3A_152 = tpu.memref_slice %arg7[%add3A_150, %dma_start3A_151] : memref<125x80xi32, #tpu.memory_space<vmem>> -> memref<1x80xi32, #tpu.memory_space<vmem>>
        %dma_start3A_153 = tpu.memref_squeeze %dma_start3A_152 : memref<1x80xi32, #tpu.memory_space<vmem>> -> memref<80xi32, #tpu.memory_space<vmem>>
        %dma_start3A_154 = arith.constant 0 : i32
        %dma_start3A_155 = arith.constant 0 : i32
        %dma_start3A_156 = tpu.memref_slice %arg2[%dma_start3A_154, %dma_start3A_155] : memref<10000x128xf32, #tpu.memory_space<hbm>> -> memref<10000x128xf32, #tpu.memory_space<hbm>>
        tpu.enqueue_indirect_dma source(%dma_start3A_156 : memref<10000x128xf32, #tpu.memory_space<hbm>>) target(%arg9 : memref<80x128xf32, #tpu.memory_space<vmem>>) offsets(%dma_start3A_153 : memref<80xi32, #tpu.memory_space<vmem>>) semaphore(%arg15 : memref<!tpu.dma_semaphore, #tpu.memory_space<semaphore_mem>>)
        %dma_start3A_157 = arith.constant 0 : i32
        %dma_start3A_158 = tpu.memref_slice %arg8[%add3A_150, %dma_start3A_157] : memref<125x80xi32, #tpu.memory_space<vmem>> -> memref<1x80xi32, #tpu.memory_space<vmem>>
        %dma_start3A_159 = tpu.memref_squeeze %dma_start3A_158 : memref<1x80xi32, #tpu.memory_space<vmem>> -> memref<80xi32, #tpu.memory_space<vmem>>
        %dma_start3A_160 = arith.constant 0 : i32
        %dma_start3A_161 = arith.constant 0 : i32
        %dma_start3A_162 = tpu.memref_slice %arg3[%dma_start3A_160, %dma_start3A_161] : memref<10000x128xf32, #tpu.memory_space<hbm>> -> memref<10000x128xf32, #tpu.memory_space<hbm>>
        tpu.enqueue_indirect_dma source(%dma_start3A_162 : memref<10000x128xf32, #tpu.memory_space<hbm>>) target(%arg11 : memref<80x128xf32, #tpu.memory_space<vmem>>) offsets(%dma_start3A_159 : memref<80xi32, #tpu.memory_space<vmem>>) semaphore(%arg17 : memref<!tpu.dma_semaphore, #tpu.memory_space<semaphore_mem>>)
      } else {
      }
      %add3A_111 = arith.constant 1 : i32
      %add3A_112 = arith.addi %mul3A_78, %add3A_111 : i32
      %dma_wait3A_113 = arith.constant 0 : i32
      %dma_wait3A_114 = tpu.memref_slice %arg7[%add3A_112, %dma_wait3A_113] : memref<125x80xi32, #tpu.memory_space<vmem>> -> memref<1x80xi32, #tpu.memory_space<vmem>>
      %dma_wait3A_115 = tpu.memref_squeeze %dma_wait3A_114 : memref<1x80xi32, #tpu.memory_space<vmem>> -> memref<80xi32, #tpu.memory_space<vmem>>
      %dma_wait3A_116 = arith.constant 0 : i32
      %dma_wait3A_117 = arith.constant 0 : i32
      %dma_wait3A_118 = tpu.memref_slice %arg2[%dma_wait3A_116, %dma_wait3A_117] : memref<10000x128xf32, #tpu.memory_space<hbm>> -> memref<10000x128xf32, #tpu.memory_space<hbm>>
      tpu.wait_indirect_dma semaphore(%arg16 : memref<!tpu.dma_semaphore, #tpu.memory_space<semaphore_mem>>) src(%dma_wait3A_118 : memref<10000x128xf32, #tpu.memory_space<hbm>>) dst(%arg10 : memref<80x128xf32, #tpu.memory_space<vmem>>)
      %dma_wait3A_119 = arith.constant 0 : i32
      %dma_wait3A_120 = tpu.memref_slice %arg8[%add3A_112, %dma_wait3A_119] : memref<125x80xi32, #tpu.memory_space<vmem>> -> memref<1x80xi32, #tpu.memory_space<vmem>>
      %dma_wait3A_121 = tpu.memref_squeeze %dma_wait3A_120 : memref<1x80xi32, #tpu.memory_space<vmem>> -> memref<80xi32, #tpu.memory_space<vmem>>
      %dma_wait3A_122 = arith.constant 0 : i32
      %dma_wait3A_123 = arith.constant 0 : i32
      %dma_wait3A_124 = tpu.memref_slice %arg3[%dma_wait3A_122, %dma_wait3A_123] : memref<10000x128xf32, #tpu.memory_space<hbm>> -> memref<10000x128xf32, #tpu.memory_space<hbm>>
      tpu.wait_indirect_dma semaphore(%arg18 : memref<!tpu.dma_semaphore, #tpu.memory_space<semaphore_mem>>) src(%dma_wait3A_124 : memref<10000x128xf32, #tpu.memory_space<hbm>>) dst(%arg12 : memref<80x128xf32, #tpu.memory_space<vmem>>)
      %ge3A_125 = arith.constant 2 : i32
      %ge3A_126 = arith.cmpi sge, %add3A_112, %ge3A_125 : i32
      %convert_element_type3A_127 = arith.extui %ge3A_126 : i1 to i32
      %cond3A_128 = arith.constant 0 : i32
      %cond3A_129 = arith.cmpi ne, %convert_element_type3A_127, %cond3A_128 : i32
      scf.if %cond3A_129 {
        %sub3A = arith.constant 2 : i32
        %sub3A_149 = arith.subi %add3A_112, %sub3A : i32
        %mul3A_150 = arith.constant 80 : i32
        %mul3A_151 = arith.muli %sub3A_149, %mul3A_150 : i32
        %add3A_152 = arith.addi %mul3A_2, %mul3A_151 : i32
        %dma_wait3A_153 = arith.constant 0 : i32
        %dma_wait3A_154 = tpu.memref_slice %arg6[%add3A_152, %dma_wait3A_153] : memref<320000x128xf32, #tpu.memory_space<hbm>> -> memref<80x128xf32, #tpu.memory_space<hbm>>
        %dma_wait3A_155 = arith.constant 0 : i32
        %dma_wait3A_156 = tpu.memref_slice %arg6[%add3A_152, %dma_wait3A_155] : memref<320000x128xf32, #tpu.memory_space<hbm>> -> memref<80x128xf32, #tpu.memory_space<hbm>>
        tpu.wait_dma2 semaphore(%arg20 : memref<!tpu.dma_semaphore, #tpu.memory_space<semaphore_mem>>) src(%arg14 : memref<80x128xf32, #tpu.memory_space<vmem>>) dst(%dma_wait3A_156 : memref<80x128xf32, #tpu.memory_space<hbm>>)
      } else {
      }
      %scan3A_130 = arith.constant 0 : i32
      %scan3A_131 = arith.constant 80 : i32
      %scan3A_132 = arith.addi %scan3A_130, %scan3A_131 : i32
      %scan3A_133 = arith.constant 1 : i32
      scf.for %scan3A_149 = %scan3A_130 to %scan3A_132 step %scan3A_133  : i32 {
        %get3A = arith.index_cast %scan3A_149 : i32 to index
        %get3A_150 = arith.constant 0 : index
        %get3A_151 = tpu.vector_load %arg10[%get3A, %get3A_150] {strides = array<i32>} : memref<80x128xf32, #tpu.memory_space<vmem>>, vector<1x16xf32>,
        %get3A_152 = vector.shape_cast %get3A_151 : vector<1x16xf32> to vector<16xf32>
        %get3A_153 = arith.index_cast %scan3A_149 : i32 to index
        %get3A_154 = arith.constant 0 : index
        %get3A_155 = tpu.vector_load %arg12[%get3A_153, %get3A_154] {strides = array<i32>} : memref<80x128xf32, #tpu.memory_space<vmem>>, vector<1x16xf32>,
        %get3A_156 = vector.shape_cast %get3A_155 : vector<1x16xf32> to vector<16xf32>
        %add3A_157 = arith.addf %get3A_152, %get3A_156 : vector<16xf32>
        %swap3A = arith.index_cast %scan3A_149 : i32 to index
        %swap3A_158 = arith.constant 0 : index
        %swap3A_159 = tpu.vector_load %arg14[%swap3A, %swap3A_158] {strides = array<i32>} : memref<80x128xf32, #tpu.memory_space<vmem>>, vector<1x16xf32>,
        %swap3A_160 = vector.shape_cast %swap3A_159 : vector<1x16xf32> to vector<16xf32>
        %swap3A_161 = vector.shape_cast %add3A_157 : vector<16xf32> to vector<1x16xf32>
        tpu.vector_store %arg14[%swap3A, %swap3A_158], %swap3A_161 {strides = array<i32>} : memref<80x128xf32, #tpu.memory_space<vmem>>, vector<1x16xf32>,
        %get3A_162 = arith.index_cast %scan3A_149 : i32 to index
        %get3A_163 = arith.constant 16 : index
        %get3A_164 = tpu.vector_load %arg10[%get3A_162, %get3A_163] {strides = array<i32>} : memref<80x128xf32, #tpu.memory_space<vmem>>, vector<1x16xf32>,
        %get3A_165 = vector.shape_cast %get3A_164 : vector<1x16xf32> to vector<16xf32>
        %get3A_166 = arith.index_cast %scan3A_149 : i32 to index
        %get3A_167 = arith.constant 16 : index
        %get3A_168 = tpu.vector_load %arg12[%get3A_166, %get3A_167] {strides = array<i32>} : memref<80x128xf32, #tpu.memory_space<vmem>>, vector<1x16xf32>,
        %get3A_169 = vector.shape_cast %get3A_168 : vector<1x16xf32> to vector<16xf32>
        %add3A_170 = arith.addf %get3A_165, %get3A_169 : vector<16xf32>
        %swap3A_171 = arith.index_cast %scan3A_149 : i32 to index
        %swap3A_172 = arith.constant 16 : index
        %swap3A_173 = tpu.vector_load %arg14[%swap3A_171, %swap3A_172] {strides = array<i32>} : memref<80x128xf32, #tpu.memory_space<vmem>>, vector<1x16xf32>,
        %swap3A_174 = vector.shape_cast %swap3A_173 : vector<1x16xf32> to vector<16xf32>
        %swap3A_175 = vector.shape_cast %add3A_170 : vector<16xf32> to vector<1x16xf32>
        tpu.vector_store %arg14[%swap3A_171, %swap3A_172], %swap3A_175 {strides = array<i32>} : memref<80x128xf32, #tpu.memory_space<vmem>>, vector<1x16xf32>,
        %get3A_176 = arith.index_cast %scan3A_149 : i32 to index
        %get3A_177 = arith.constant 32 : index
        %get3A_178 = tpu.vector_load %arg10[%get3A_176, %get3A_177] {strides = array<i32>} : memref<80x128xf32, #tpu.memory_space<vmem>>, vector<1x16xf32>,
        %get3A_179 = vector.shape_cast %get3A_178 : vector<1x16xf32> to vector<16xf32>
        %get3A_180 = arith.index_cast %scan3A_149 : i32 to index
        %get3A_181 = arith.constant 32 : index
        %get3A_182 = tpu.vector_load %arg12[%get3A_180, %get3A_181] {strides = array<i32>} : memref<80x128xf32, #tpu.memory_space<vmem>>, vector<1x16xf32>,
        %get3A_183 = vector.shape_cast %get3A_182 : vector<1x16xf32> to vector<16xf32>
        %add3A_184 = arith.addf %get3A_179, %get3A_183 : vector<16xf32>
        %swap3A_185 = arith.index_cast %scan3A_149 : i32 to index
        %swap3A_186 = arith.constant 32 : index
        %swap3A_187 = tpu.vector_load %arg14[%swap3A_185, %swap3A_186] {strides = array<i32>} : memref<80x128xf32, #tpu.memory_space<vmem>>, vector<1x16xf32>,
        %swap3A_188 = vector.shape_cast %swap3A_187 : vector<1x16xf32> to vector<16xf32>
        %swap3A_189 = vector.shape_cast %add3A_184 : vector<16xf32> to vector<1x16xf32>
        tpu.vector_store %arg14[%swap3A_185, %swap3A_186], %swap3A_189 {strides = array<i32>} : memref<80x128xf32, #tpu.memory_space<vmem>>, vector<1x16xf32>,
        %get3A_190 = arith.index_cast %scan3A_149 : i32 to index
        %get3A_191 = arith.constant 48 : index
        %get3A_192 = tpu.vector_load %arg10[%get3A_190, %get3A_191] {strides = array<i32>} : memref<80x128xf32, #tpu.memory_space<vmem>>, vector<1x16xf32>,
        %get3A_193 = vector.shape_cast %get3A_192 : vector<1x16xf32> to vector<16xf32>
        %get3A_194 = arith.index_cast %scan3A_149 : i32 to index
        %get3A_195 = arith.constant 48 : index
        %get3A_196 = tpu.vector_load %arg12[%get3A_194, %get3A_195] {strides = array<i32>} : memref<80x128xf32, #tpu.memory_space<vmem>>, vector<1x16xf32>,
        %get3A_197 = vector.shape_cast %get3A_196 : vector<1x16xf32> to vector<16xf32>
        %add3A_198 = arith.addf %get3A_193, %get3A_197 : vector<16xf32>
        %swap3A_199 = arith.index_cast %scan3A_149 : i32 to index
        %swap3A_200 = arith.constant 48 : index
        %swap3A_201 = tpu.vector_load %arg14[%swap3A_199, %swap3A_200] {strides = array<i32>} : memref<80x128xf32, #tpu.memory_space<vmem>>, vector<1x16xf32>,
        %swap3A_202 = vector.shape_cast %swap3A_201 : vector<1x16xf32> to vector<16xf32>
        %swap3A_203 = vector.shape_cast %add3A_198 : vector<16xf32> to vector<1x16xf32>
        tpu.vector_store %arg14[%swap3A_199, %swap3A_200], %swap3A_203 {strides = array<i32>} : memref<80x128xf32, #tpu.memory_space<vmem>>, vector<1x16xf32>,
        %get3A_204 = arith.index_cast %scan3A_149 : i32 to index
        %get3A_205 = arith.constant 64 : index
        %get3A_206 = tpu.vector_load %arg10[%get3A_204, %get3A_205] {strides = array<i32>} : memref<80x128xf32, #tpu.memory_space<vmem>>, vector<1x16xf32>,
        %get3A_207 = vector.shape_cast %get3A_206 : vector<1x16xf32> to vector<16xf32>
        %get3A_208 = arith.index_cast %scan3A_149 : i32 to index
        %get3A_209 = arith.constant 64 : index
        %get3A_210 = tpu.vector_load %arg12[%get3A_208, %get3A_209] {strides = array<i32>} : memref<80x128xf32, #tpu.memory_space<vmem>>, vector<1x16xf32>,
        %get3A_211 = vector.shape_cast %get3A_210 : vector<1x16xf32> to vector<16xf32>
        %add3A_212 = arith.addf %get3A_207, %get3A_211 : vector<16xf32>
        %swap3A_213 = arith.index_cast %scan3A_149 : i32 to index
        %swap3A_214 = arith.constant 64 : index
        %swap3A_215 = tpu.vector_load %arg14[%swap3A_213, %swap3A_214] {strides = array<i32>} : memref<80x128xf32, #tpu.memory_space<vmem>>, vector<1x16xf32>,
        %swap3A_216 = vector.shape_cast %swap3A_215 : vector<1x16xf32> to vector<16xf32>
        %swap3A_217 = vector.shape_cast %add3A_212 : vector<16xf32> to vector<1x16xf32>
        tpu.vector_store %arg14[%swap3A_213, %swap3A_214], %swap3A_217 {strides = array<i32>} : memref<80x128xf32, #tpu.memory_space<vmem>>, vector<1x16xf32>,
        %get3A_218 = arith.index_cast %scan3A_149 : i32 to index
        %get3A_219 = arith.constant 80 : index
        %get3A_220 = tpu.vector_load %arg10[%get3A_218, %get3A_219] {strides = array<i32>} : memref<80x128xf32, #tpu.memory_space<vmem>>, vector<1x16xf32>,
        %get3A_221 = vector.shape_cast %get3A_220 : vector<1x16xf32> to vector<16xf32>
        %get3A_222 = arith.index_cast %scan3A_149 : i32 to index
        %get3A_223 = arith.constant 80 : index
        %get3A_224 = tpu.vector_load %arg12[%get3A_222, %get3A_223] {strides = array<i32>} : memref<80x128xf32, #tpu.memory_space<vmem>>, vector<1x16xf32>,
        %get3A_225 = vector.shape_cast %get3A_224 : vector<1x16xf32> to vector<16xf32>
        %add3A_226 = arith.addf %get3A_221, %get3A_225 : vector<16xf32>
        %swap3A_227 = arith.index_cast %scan3A_149 : i32 to index
        %swap3A_228 = arith.constant 80 : index
        %swap3A_229 = tpu.vector_load %arg14[%swap3A_227, %swap3A_228] {strides = array<i32>} : memref<80x128xf32, #tpu.memory_space<vmem>>, vector<1x16xf32>,
        %swap3A_230 = vector.shape_cast %swap3A_229 : vector<1x16xf32> to vector<16xf32>
        %swap3A_231 = vector.shape_cast %add3A_226 : vector<16xf32> to vector<1x16xf32>
        tpu.vector_store %arg14[%swap3A_227, %swap3A_228], %swap3A_231 {strides = array<i32>} : memref<80x128xf32, #tpu.memory_space<vmem>>, vector<1x16xf32>,
        %get3A_232 = arith.index_cast %scan3A_149 : i32 to index
        %get3A_233 = arith.constant 96 : index
        %get3A_234 = tpu.vector_load %arg10[%get3A_232, %get3A_233] {strides = array<i32>} : memref<80x128xf32, #tpu.memory_space<vmem>>, vector<1x16xf32>,
        %get3A_235 = vector.shape_cast %get3A_234 : vector<1x16xf32> to vector<16xf32>
        %get3A_236 = arith.index_cast %scan3A_149 : i32 to index
        %get3A_237 = arith.constant 96 : index
        %get3A_238 = tpu.vector_load %arg12[%get3A_236, %get3A_237] {strides = array<i32>} : memref<80x128xf32, #tpu.memory_space<vmem>>, vector<1x16xf32>,
        %get3A_239 = vector.shape_cast %get3A_238 : vector<1x16xf32> to vector<16xf32>
        %add3A_240 = arith.addf %get3A_235, %get3A_239 : vector<16xf32>
        %swap3A_241 = arith.index_cast %scan3A_149 : i32 to index
        %swap3A_242 = arith.constant 96 : index
        %swap3A_243 = tpu.vector_load %arg14[%swap3A_241, %swap3A_242] {strides = array<i32>} : memref<80x128xf32, #tpu.memory_space<vmem>>, vector<1x16xf32>,
        %swap3A_244 = vector.shape_cast %swap3A_243 : vector<1x16xf32> to vector<16xf32>
        %swap3A_245 = vector.shape_cast %add3A_240 : vector<16xf32> to vector<1x16xf32>
        tpu.vector_store %arg14[%swap3A_241, %swap3A_242], %swap3A_245 {strides = array<i32>} : memref<80x128xf32, #tpu.memory_space<vmem>>, vector<1x16xf32>,
        %get3A_246 = arith.index_cast %scan3A_149 : i32 to index
        %get3A_247 = arith.constant 112 : index
        %get3A_248 = tpu.vector_load %arg10[%get3A_246, %get3A_247] {strides = array<i32>} : memref<80x128xf32, #tpu.memory_space<vmem>>, vector<1x16xf32>,
        %get3A_249 = vector.shape_cast %get3A_248 : vector<1x16xf32> to vector<16xf32>
        %get3A_250 = arith.index_cast %scan3A_149 : i32 to index
        %get3A_251 = arith.constant 112 : index
        %get3A_252 = tpu.vector_load %arg12[%get3A_250, %get3A_251] {strides = array<i32>} : memref<80x128xf32, #tpu.memory_space<vmem>>, vector<1x16xf32>,
        %get3A_253 = vector.shape_cast %get3A_252 : vector<1x16xf32> to vector<16xf32>
        %add3A_254 = arith.addf %get3A_249, %get3A_253 : vector<16xf32>
        %swap3A_255 = arith.index_cast %scan3A_149 : i32 to index
        %swap3A_256 = arith.constant 112 : index
        %swap3A_257 = tpu.vector_load %arg14[%swap3A_255, %swap3A_256] {strides = array<i32>} : memref<80x128xf32, #tpu.memory_space<vmem>>, vector<1x16xf32>,
        %swap3A_258 = vector.shape_cast %swap3A_257 : vector<1x16xf32> to vector<16xf32>
        %swap3A_259 = vector.shape_cast %add3A_254 : vector<16xf32> to vector<1x16xf32>
        tpu.vector_store %arg14[%swap3A_255, %swap3A_256], %swap3A_259 {strides = array<i32>} : memref<80x128xf32, #tpu.memory_space<vmem>>, vector<1x16xf32>,
      }
      %scan3A_134 = arith.constant 80 : i32
      %mul3A_135 = arith.constant 80 : i32
      %mul3A_136 = arith.muli %add3A_112, %mul3A_135 : i32
      %add3A_137 = arith.addi %mul3A_2, %mul3A_136 : i32
      %dma_start3A_138 = arith.constant 0 : i32
      %dma_start3A_139 = tpu.memref_slice %arg6[%add3A_137, %dma_start3A_138] : memref<320000x128xf32, #tpu.memory_space<hbm>> -> memref<80x128xf32, #tpu.memory_space<hbm>>
      %dma_start3A_140 = arith.constant 0 : i32
      %dma_start3A_141 = tpu.memref_slice %arg6[%add3A_137, %dma_start3A_140] : memref<320000x128xf32, #tpu.memory_space<hbm>> -> memref<80x128xf32, #tpu.memory_space<hbm>>
      tpu.enqueue_dma source(%arg14 : memref<80x128xf32, #tpu.memory_space<vmem>>) target(%dma_start3A_141 : memref<80x128xf32, #tpu.memory_space<hbm>>) target_semaphore(%arg20 : memref<!tpu.dma_semaphore, #tpu.memory_space<semaphore_mem>>)
      %add3A_142 = arith.constant 3 : i32
      %add3A_143 = arith.addi %mul3A_78, %add3A_142 : i32
      %lt3A_144 = arith.constant 125 : i32
      %lt3A_145 = arith.cmpi slt, %add3A_143, %lt3A_144 : i32
      %convert_element_type3A_146 = arith.extui %lt3A_145 : i1 to i32
      %cond3A_147 = arith.constant 0 : i32
      %cond3A_148 = arith.cmpi ne, %convert_element_type3A_146, %cond3A_147 : i32
      scf.if %cond3A_148 {
        %add3A_149 = arith.constant 3 : i32
        %add3A_150 = arith.addi %mul3A_78, %add3A_149 : i32
        %dma_start3A_151 = arith.constant 0 : i32
        %dma_start3A_152 = tpu.memref_slice %arg7[%add3A_150, %dma_start3A_151] : memref<125x80xi32, #tpu.memory_space<vmem>> -> memref<1x80xi32, #tpu.memory_space<vmem>>
        %dma_start3A_153 = tpu.memref_squeeze %dma_start3A_152 : memref<1x80xi32, #tpu.memory_space<vmem>> -> memref<80xi32, #tpu.memory_space<vmem>>
        %dma_start3A_154 = arith.constant 0 : i32
        %dma_start3A_155 = arith.constant 0 : i32
        %dma_start3A_156 = tpu.memref_slice %arg2[%dma_start3A_154, %dma_start3A_155] : memref<10000x128xf32, #tpu.memory_space<hbm>> -> memref<10000x128xf32, #tpu.memory_space<hbm>>
        tpu.enqueue_indirect_dma source(%dma_start3A_156 : memref<10000x128xf32, #tpu.memory_space<hbm>>) target(%arg10 : memref<80x128xf32, #tpu.memory_space<vmem>>) offsets(%dma_start3A_153 : memref<80xi32, #tpu.memory_space<vmem>>) semaphore(%arg16 : memref<!tpu.dma_semaphore, #tpu.memory_space<semaphore_mem>>)
        %dma_start3A_157 = arith.constant 0 : i32
        %dma_start3A_158 = tpu.memref_slice %arg8[%add3A_150, %dma_start3A_157] : memref<125x80xi32, #tpu.memory_space<vmem>> -> memref<1x80xi32, #tpu.memory_space<vmem>>
        %dma_start3A_159 = tpu.memref_squeeze %dma_start3A_158 : memref<1x80xi32, #tpu.memory_space<vmem>> -> memref<80xi32, #tpu.memory_space<vmem>>
        %dma_start3A_160 = arith.constant 0 : i32
        %dma_start3A_161 = arith.constant 0 : i32
        %dma_start3A_162 = tpu.memref_slice %arg3[%dma_start3A_160, %dma_start3A_161] : memref<10000x128xf32, #tpu.memory_space<hbm>> -> memref<10000x128xf32, #tpu.memory_space<hbm>>
        tpu.enqueue_indirect_dma source(%dma_start3A_162 : memref<10000x128xf32, #tpu.memory_space<hbm>>) target(%arg12 : memref<80x128xf32, #tpu.memory_space<vmem>>) offsets(%dma_start3A_159 : memref<80xi32, #tpu.memory_space<vmem>>) semaphore(%arg18 : memref<!tpu.dma_semaphore, #tpu.memory_space<semaphore_mem>>)
      } else {
      }
    }
    %scan3A_33 = arith.constant 62 : i32
    %dma_wait3A = arith.constant 124 : i32
    %dma_wait3A_34 = arith.constant 0 : i32
    %dma_wait3A_35 = tpu.memref_slice %arg7[%dma_wait3A, %dma_wait3A_34] : memref<125x80xi32, #tpu.memory_space<vmem>> -> memref<1x80xi32, #tpu.memory_space<vmem>>
    %dma_wait3A_36 = tpu.memref_squeeze %dma_wait3A_35 : memref<1x80xi32, #tpu.memory_space<vmem>> -> memref<80xi32, #tpu.memory_space<vmem>>
    %dma_wait3A_37 = arith.constant 0 : i32
    %dma_wait3A_38 = arith.constant 0 : i32
    %dma_wait3A_39 = tpu.memref_slice %arg2[%dma_wait3A_37, %dma_wait3A_38] : memref<10000x128xf32, #tpu.memory_space<hbm>> -> memref<10000x128xf32, #tpu.memory_space<hbm>>
    tpu.wait_indirect_dma semaphore(%arg15 : memref<!tpu.dma_semaphore, #tpu.memory_space<semaphore_mem>>) src(%dma_wait3A_39 : memref<10000x128xf32, #tpu.memory_space<hbm>>) dst(%arg9 : memref<80x128xf32, #tpu.memory_space<vmem>>)
    %dma_wait3A_40 = arith.constant 124 : i32
    %dma_wait3A_41 = arith.constant 0 : i32
    %dma_wait3A_42 = tpu.memref_slice %arg8[%dma_wait3A_40, %dma_wait3A_41] : memref<125x80xi32, #tpu.memory_space<vmem>> -> memref<1x80xi32, #tpu.memory_space<vmem>>
    %dma_wait3A_43 = tpu.memref_squeeze %dma_wait3A_42 : memref<1x80xi32, #tpu.memory_space<vmem>> -> memref<80xi32, #tpu.memory_space<vmem>>
    %dma_wait3A_44 = arith.constant 0 : i32
    %dma_wait3A_45 = arith.constant 0 : i32
    %dma_wait3A_46 = tpu.memref_slice %arg3[%dma_wait3A_44, %dma_wait3A_45] : memref<10000x128xf32, #tpu.memory_space<hbm>> -> memref<10000x128xf32, #tpu.memory_space<hbm>>
    tpu.wait_indirect_dma semaphore(%arg17 : memref<!tpu.dma_semaphore, #tpu.memory_space<semaphore_mem>>) src(%dma_wait3A_46 : memref<10000x128xf32, #tpu.memory_space<hbm>>) dst(%arg11 : memref<80x128xf32, #tpu.memory_space<vmem>>)
    %add3A_47 = arith.constant 9760 : i32
    %add3A_48 = arith.addi %mul3A_2, %add3A_47 : i32
    %dma_wait3A_49 = arith.constant 0 : i32
    %dma_wait3A_50 = tpu.memref_slice %arg6[%add3A_48, %dma_wait3A_49] : memref<320000x128xf32, #tpu.memory_space<hbm>> -> memref<80x128xf32, #tpu.memory_space<hbm>>
    %dma_wait3A_51 = arith.constant 0 : i32
    %dma_wait3A_52 = tpu.memref_slice %arg6[%add3A_48, %dma_wait3A_51] : memref<320000x128xf32, #tpu.memory_space<hbm>> -> memref<80x128xf32, #tpu.memory_space<hbm>>
    tpu.wait_dma2 semaphore(%arg19 : memref<!tpu.dma_semaphore, #tpu.memory_space<semaphore_mem>>) src(%arg13 : memref<80x128xf32, #tpu.memory_space<vmem>>) dst(%dma_wait3A_52 : memref<80x128xf32, #tpu.memory_space<hbm>>)
    %scan3A_53 = arith.constant 0 : i32
    %scan3A_54 = arith.constant 80 : i32
    %scan3A_55 = arith.addi %scan3A_53, %scan3A_54 : i32
    %scan3A_56 = arith.constant 1 : i32
    scf.for %scan3A_76 = %scan3A_53 to %scan3A_55 step %scan3A_56  : i32 {
      %get3A = arith.index_cast %scan3A_76 : i32 to index
      %get3A_77 = arith.constant 0 : index
      %get3A_78 = tpu.vector_load %arg9[%get3A, %get3A_77] {strides = array<i32>} : memref<80x128xf32, #tpu.memory_space<vmem>>, vector<1x16xf32>,
      %get3A_79 = vector.shape_cast %get3A_78 : vector<1x16xf32> to vector<16xf32>
      %get3A_80 = arith.index_cast %scan3A_76 : i32 to index
      %get3A_81 = arith.constant 0 : index
      %get3A_82 = tpu.vector_load %arg11[%get3A_80, %get3A_81] {strides = array<i32>} : memref<80x128xf32, #tpu.memory_space<vmem>>, vector<1x16xf32>,
      %get3A_83 = vector.shape_cast %get3A_82 : vector<1x16xf32> to vector<16xf32>
      %add3A_84 = arith.addf %get3A_79, %get3A_83 : vector<16xf32>
      %swap3A = arith.index_cast %scan3A_76 : i32 to index
      %swap3A_85 = arith.constant 0 : index
      %swap3A_86 = tpu.vector_load %arg13[%swap3A, %swap3A_85] {strides = array<i32>} : memref<80x128xf32, #tpu.memory_space<vmem>>, vector<1x16xf32>,
      %swap3A_87 = vector.shape_cast %swap3A_86 : vector<1x16xf32> to vector<16xf32>
      %swap3A_88 = vector.shape_cast %add3A_84 : vector<16xf32> to vector<1x16xf32>
      tpu.vector_store %arg13[%swap3A, %swap3A_85], %swap3A_88 {strides = array<i32>} : memref<80x128xf32, #tpu.memory_space<vmem>>, vector<1x16xf32>,
      %get3A_89 = arith.index_cast %scan3A_76 : i32 to index
      %get3A_90 = arith.constant 16 : index
      %get3A_91 = tpu.vector_load %arg9[%get3A_89, %get3A_90] {strides = array<i32>} : memref<80x128xf32, #tpu.memory_space<vmem>>, vector<1x16xf32>,
      %get3A_92 = vector.shape_cast %get3A_91 : vector<1x16xf32> to vector<16xf32>
      %get3A_93 = arith.index_cast %scan3A_76 : i32 to index
      %get3A_94 = arith.constant 16 : index
      %get3A_95 = tpu.vector_load %arg11[%get3A_93, %get3A_94] {strides = array<i32>} : memref<80x128xf32, #tpu.memory_space<vmem>>, vector<1x16xf32>,
      %get3A_96 = vector.shape_cast %get3A_95 : vector<1x16xf32> to vector<16xf32>
      %add3A_97 = arith.addf %get3A_92, %get3A_96 : vector<16xf32>
      %swap3A_98 = arith.index_cast %scan3A_76 : i32 to index
      %swap3A_99 = arith.constant 16 : index
      %swap3A_100 = tpu.vector_load %arg13[%swap3A_98, %swap3A_99] {strides = array<i32>} : memref<80x128xf32, #tpu.memory_space<vmem>>, vector<1x16xf32>,
      %swap3A_101 = vector.shape_cast %swap3A_100 : vector<1x16xf32> to vector<16xf32>
      %swap3A_102 = vector.shape_cast %add3A_97 : vector<16xf32> to vector<1x16xf32>
      tpu.vector_store %arg13[%swap3A_98, %swap3A_99], %swap3A_102 {strides = array<i32>} : memref<80x128xf32, #tpu.memory_space<vmem>>, vector<1x16xf32>,
      %get3A_103 = arith.index_cast %scan3A_76 : i32 to index
      %get3A_104 = arith.constant 32 : index
      %get3A_105 = tpu.vector_load %arg9[%get3A_103, %get3A_104] {strides = array<i32>} : memref<80x128xf32, #tpu.memory_space<vmem>>, vector<1x16xf32>,
      %get3A_106 = vector.shape_cast %get3A_105 : vector<1x16xf32> to vector<16xf32>
      %get3A_107 = arith.index_cast %scan3A_76 : i32 to index
      %get3A_108 = arith.constant 32 : index
      %get3A_109 = tpu.vector_load %arg11[%get3A_107, %get3A_108] {strides = array<i32>} : memref<80x128xf32, #tpu.memory_space<vmem>>, vector<1x16xf32>,
      %get3A_110 = vector.shape_cast %get3A_109 : vector<1x16xf32> to vector<16xf32>
      %add3A_111 = arith.addf %get3A_106, %get3A_110 : vector<16xf32>
      %swap3A_112 = arith.index_cast %scan3A_76 : i32 to index
      %swap3A_113 = arith.constant 32 : index
      %swap3A_114 = tpu.vector_load %arg13[%swap3A_112, %swap3A_113] {strides = array<i32>} : memref<80x128xf32, #tpu.memory_space<vmem>>, vector<1x16xf32>,
      %swap3A_115 = vector.shape_cast %swap3A_114 : vector<1x16xf32> to vector<16xf32>
      %swap3A_116 = vector.shape_cast %add3A_111 : vector<16xf32> to vector<1x16xf32>
      tpu.vector_store %arg13[%swap3A_112, %swap3A_113], %swap3A_116 {strides = array<i32>} : memref<80x128xf32, #tpu.memory_space<vmem>>, vector<1x16xf32>,
      %get3A_117 = arith.index_cast %scan3A_76 : i32 to index
      %get3A_118 = arith.constant 48 : index
      %get3A_119 = tpu.vector_load %arg9[%get3A_117, %get3A_118] {strides = array<i32>} : memref<80x128xf32, #tpu.memory_space<vmem>>, vector<1x16xf32>,
      %get3A_120 = vector.shape_cast %get3A_119 : vector<1x16xf32> to vector<16xf32>
      %get3A_121 = arith.index_cast %scan3A_76 : i32 to index
      %get3A_122 = arith.constant 48 : index
      %get3A_123 = tpu.vector_load %arg11[%get3A_121, %get3A_122] {strides = array<i32>} : memref<80x128xf32, #tpu.memory_space<vmem>>, vector<1x16xf32>,
      %get3A_124 = vector.shape_cast %get3A_123 : vector<1x16xf32> to vector<16xf32>
      %add3A_125 = arith.addf %get3A_120, %get3A_124 : vector<16xf32>
      %swap3A_126 = arith.index_cast %scan3A_76 : i32 to index
      %swap3A_127 = arith.constant 48 : index
      %swap3A_128 = tpu.vector_load %arg13[%swap3A_126, %swap3A_127] {strides = array<i32>} : memref<80x128xf32, #tpu.memory_space<vmem>>, vector<1x16xf32>,
      %swap3A_129 = vector.shape_cast %swap3A_128 : vector<1x16xf32> to vector<16xf32>
      %swap3A_130 = vector.shape_cast %add3A_125 : vector<16xf32> to vector<1x16xf32>
      tpu.vector_store %arg13[%swap3A_126, %swap3A_127], %swap3A_130 {strides = array<i32>} : memref<80x128xf32, #tpu.memory_space<vmem>>, vector<1x16xf32>,
      %get3A_131 = arith.index_cast %scan3A_76 : i32 to index
      %get3A_132 = arith.constant 64 : index
      %get3A_133 = tpu.vector_load %arg9[%get3A_131, %get3A_132] {strides = array<i32>} : memref<80x128xf32, #tpu.memory_space<vmem>>, vector<1x16xf32>,
      %get3A_134 = vector.shape_cast %get3A_133 : vector<1x16xf32> to vector<16xf32>
      %get3A_135 = arith.index_cast %scan3A_76 : i32 to index
      %get3A_136 = arith.constant 64 : index
      %get3A_137 = tpu.vector_load %arg11[%get3A_135, %get3A_136] {strides = array<i32>} : memref<80x128xf32, #tpu.memory_space<vmem>>, vector<1x16xf32>,
      %get3A_138 = vector.shape_cast %get3A_137 : vector<1x16xf32> to vector<16xf32>
      %add3A_139 = arith.addf %get3A_134, %get3A_138 : vector<16xf32>
      %swap3A_140 = arith.index_cast %scan3A_76 : i32 to index
      %swap3A_141 = arith.constant 64 : index
      %swap3A_142 = tpu.vector_load %arg13[%swap3A_140, %swap3A_141] {strides = array<i32>} : memref<80x128xf32, #tpu.memory_space<vmem>>, vector<1x16xf32>,
      %swap3A_143 = vector.shape_cast %swap3A_142 : vector<1x16xf32> to vector<16xf32>
      %swap3A_144 = vector.shape_cast %add3A_139 : vector<16xf32> to vector<1x16xf32>
      tpu.vector_store %arg13[%swap3A_140, %swap3A_141], %swap3A_144 {strides = array<i32>} : memref<80x128xf32, #tpu.memory_space<vmem>>, vector<1x16xf32>,
      %get3A_145 = arith.index_cast %scan3A_76 : i32 to index
      %get3A_146 = arith.constant 80 : index
      %get3A_147 = tpu.vector_load %arg9[%get3A_145, %get3A_146] {strides = array<i32>} : memref<80x128xf32, #tpu.memory_space<vmem>>, vector<1x16xf32>,
      %get3A_148 = vector.shape_cast %get3A_147 : vector<1x16xf32> to vector<16xf32>
      %get3A_149 = arith.index_cast %scan3A_76 : i32 to index
      %get3A_150 = arith.constant 80 : index
      %get3A_151 = tpu.vector_load %arg11[%get3A_149, %get3A_150] {strides = array<i32>} : memref<80x128xf32, #tpu.memory_space<vmem>>, vector<1x16xf32>,
      %get3A_152 = vector.shape_cast %get3A_151 : vector<1x16xf32> to vector<16xf32>
      %add3A_153 = arith.addf %get3A_148, %get3A_152 : vector<16xf32>
      %swap3A_154 = arith.index_cast %scan3A_76 : i32 to index
      %swap3A_155 = arith.constant 80 : index
      %swap3A_156 = tpu.vector_load %arg13[%swap3A_154, %swap3A_155] {strides = array<i32>} : memref<80x128xf32, #tpu.memory_space<vmem>>, vector<1x16xf32>,
      %swap3A_157 = vector.shape_cast %swap3A_156 : vector<1x16xf32> to vector<16xf32>
      %swap3A_158 = vector.shape_cast %add3A_153 : vector<16xf32> to vector<1x16xf32>
      tpu.vector_store %arg13[%swap3A_154, %swap3A_155], %swap3A_158 {strides = array<i32>} : memref<80x128xf32, #tpu.memory_space<vmem>>, vector<1x16xf32>,
      %get3A_159 = arith.index_cast %scan3A_76 : i32 to index
      %get3A_160 = arith.constant 96 : index
      %get3A_161 = tpu.vector_load %arg9[%get3A_159, %get3A_160] {strides = array<i32>} : memref<80x128xf32, #tpu.memory_space<vmem>>, vector<1x16xf32>,
      %get3A_162 = vector.shape_cast %get3A_161 : vector<1x16xf32> to vector<16xf32>
      %get3A_163 = arith.index_cast %scan3A_76 : i32 to index
      %get3A_164 = arith.constant 96 : index
      %get3A_165 = tpu.vector_load %arg11[%get3A_163, %get3A_164] {strides = array<i32>} : memref<80x128xf32, #tpu.memory_space<vmem>>, vector<1x16xf32>,
      %get3A_166 = vector.shape_cast %get3A_165 : vector<1x16xf32> to vector<16xf32>
      %add3A_167 = arith.addf %get3A_162, %get3A_166 : vector<16xf32>
      %swap3A_168 = arith.index_cast %scan3A_76 : i32 to index
      %swap3A_169 = arith.constant 96 : index
      %swap3A_170 = tpu.vector_load %arg13[%swap3A_168, %swap3A_169] {strides = array<i32>} : memref<80x128xf32, #tpu.memory_space<vmem>>, vector<1x16xf32>,
      %swap3A_171 = vector.shape_cast %swap3A_170 : vector<1x16xf32> to vector<16xf32>
      %swap3A_172 = vector.shape_cast %add3A_167 : vector<16xf32> to vector<1x16xf32>
      tpu.vector_store %arg13[%swap3A_168, %swap3A_169], %swap3A_172 {strides = array<i32>} : memref<80x128xf32, #tpu.memory_space<vmem>>, vector<1x16xf32>,
      %get3A_173 = arith.index_cast %scan3A_76 : i32 to index
      %get3A_174 = arith.constant 112 : index
      %get3A_175 = tpu.vector_load %arg9[%get3A_173, %get3A_174] {strides = array<i32>} : memref<80x128xf32, #tpu.memory_space<vmem>>, vector<1x16xf32>,
      %get3A_176 = vector.shape_cast %get3A_175 : vector<1x16xf32> to vector<16xf32>
      %get3A_177 = arith.index_cast %scan3A_76 : i32 to index
      %get3A_178 = arith.constant 112 : index
      %get3A_179 = tpu.vector_load %arg11[%get3A_177, %get3A_178] {strides = array<i32>} : memref<80x128xf32, #tpu.memory_space<vmem>>, vector<1x16xf32>,
      %get3A_180 = vector.shape_cast %get3A_179 : vector<1x16xf32> to vector<16xf32>
      %add3A_181 = arith.addf %get3A_176, %get3A_180 : vector<16xf32>
      %swap3A_182 = arith.index_cast %scan3A_76 : i32 to index
      %swap3A_183 = arith.constant 112 : index
      %swap3A_184 = tpu.vector_load %arg13[%swap3A_182, %swap3A_183] {strides = array<i32>} : memref<80x128xf32, #tpu.memory_space<vmem>>, vector<1x16xf32>,
      %swap3A_185 = vector.shape_cast %swap3A_184 : vector<1x16xf32> to vector<16xf32>
      %swap3A_186 = vector.shape_cast %add3A_181 : vector<16xf32> to vector<1x16xf32>
      tpu.vector_store %arg13[%swap3A_182, %swap3A_183], %swap3A_186 {strides = array<i32>} : memref<80x128xf32, #tpu.memory_space<vmem>>, vector<1x16xf32>,
    }
    %scan3A_57 = arith.constant 80 : i32
    %add3A_58 = arith.constant 9920 : i32
    %add3A_59 = arith.addi %mul3A_2, %add3A_58 : i32
    %dma_start3A_60 = arith.constant 0 : i32
    %dma_start3A_61 = tpu.memref_slice %arg6[%add3A_59, %dma_start3A_60] : memref<320000x128xf32, #tpu.memory_space<hbm>> -> memref<80x128xf32, #tpu.memory_space<hbm>>
    %dma_start3A_62 = arith.constant 0 : i32
    %dma_start3A_63 = tpu.memref_slice %arg6[%add3A_59, %dma_start3A_62] : memref<320000x128xf32, #tpu.memory_space<hbm>> -> memref<80x128xf32, #tpu.memory_space<hbm>>
    tpu.enqueue_dma source(%arg13 : memref<80x128xf32, #tpu.memory_space<vmem>>) target(%dma_start3A_63 : memref<80x128xf32, #tpu.memory_space<hbm>>) target_semaphore(%arg19 : memref<!tpu.dma_semaphore, #tpu.memory_space<semaphore_mem>>)
    %add3A_64 = arith.constant 9840 : i32
    %add3A_65 = arith.addi %mul3A_2, %add3A_64 : i32
    %dma_wait3A_66 = arith.constant 0 : i32
    %dma_wait3A_67 = tpu.memref_slice %arg6[%add3A_65, %dma_wait3A_66] : memref<320000x128xf32, #tpu.memory_space<hbm>> -> memref<80x128xf32, #tpu.memory_space<hbm>>
    %dma_wait3A_68 = arith.constant 0 : i32
    %dma_wait3A_69 = tpu.memref_slice %arg6[%add3A_65, %dma_wait3A_68] : memref<320000x128xf32, #tpu.memory_space<hbm>> -> memref<80x128xf32, #tpu.memory_space<hbm>>
    tpu.wait_dma2 semaphore(%arg20 : memref<!tpu.dma_semaphore, #tpu.memory_space<semaphore_mem>>) src(%arg14 : memref<80x128xf32, #tpu.memory_space<vmem>>) dst(%dma_wait3A_69 : memref<80x128xf32, #tpu.memory_space<hbm>>)
    %add3A_70 = arith.constant 9920 : i32
    %add3A_71 = arith.addi %mul3A_2, %add3A_70 : i32
    %dma_wait3A_72 = arith.constant 0 : i32
    %dma_wait3A_73 = tpu.memref_slice %arg6[%add3A_71, %dma_wait3A_72] : memref<320000x128xf32, #tpu.memory_space<hbm>> -> memref<80x128xf32, #tpu.memory_space<hbm>>
    %dma_wait3A_74 = arith.constant 0 : i32
    %dma_wait3A_75 = tpu.memref_slice %arg6[%add3A_71, %dma_wait3A_74] : memref<320000x128xf32, #tpu.memory_space<hbm>> -> memref<80x128xf32, #tpu.memory_space<hbm>>
    tpu.wait_dma2 semaphore(%arg19 : memref<!tpu.dma_semaphore, #tpu.memory_space<semaphore_mem>>) src(%arg13 : memref<80x128xf32, #tpu.memory_space<vmem>>) dst(%dma_wait3A_75 : memref<80x128xf32, #tpu.memory_space<hbm>>)
    return
  }
}

module attributes {stable_mosaic.version = 14 : i64} {
  func.func @_pre_body(%arg0: i32, %arg1: memref<2000x128xf32, #tpu.memory_space<vmem>>, %arg2: memref<128x128xf32, #tpu.memory_space<vmem>>, %arg3: memref<128x128xf32, #tpu.memory_space<vmem>>, %arg4: memref<2000x128xf32, #tpu.memory_space<vmem>>, %arg5: memref<2000x128xf32, #tpu.memory_space<vmem>>) attributes {dimension_semantics = [#tpu.dimension_semantics<arbitrary>], iteration_bounds = array<i64: 5>, scalar_prefetch = 0 : i64, scratch_operands = 0 : i64, tpu.core_type = #tpu.core_type<tc>, window_params = [{transform_indices = @transform_0, window_bounds = array<i64: 2000, 128>}, {pipeline_mode = #tpu.pipeline_mode<synchronous>, transform_indices = @transform_1, window_bounds = array<i64: 128, 128>}, {pipeline_mode = #tpu.pipeline_mode<synchronous>, transform_indices = @transform_2, window_bounds = array<i64: 128, 128>}, {transform_indices = @transform_3, window_bounds = array<i64: 2000, 128>}, {transform_indices = @transform_4, window_bounds = array<i64: 2000, 128>}]} {
    %get3A = arith.constant 0 : index
    %get3A_0 = arith.constant 0 : index
    %get3A_1 = vector.load %arg1[%get3A, %get3A_0] : memref<2000x128xf32, #tpu.memory_space<vmem>>, vector<2000x128xf32>
    %get3A_2 = arith.constant 0 : index
    %get3A_3 = arith.constant 0 : index
    %get3A_4 = vector.load %arg2[%get3A_2, %get3A_3] : memref<128x128xf32, #tpu.memory_space<vmem>>, vector<128x128xf32>
    %dot_general3A = arith.constant dense<0.000000e+00> : vector<2000x128xf32>
    %dot_general3A_5 = tpu.matmul %get3A_1, %get3A_4, %dot_general3A {dimension_numbers = #tpu.dot_dimension_numbers<[1], [0], [0], [1], [0, 0, 1, 1], [], []>, transpose_lhs_hint = false} : vector<2000x128xf32>, vector<128x128xf32>, vector<2000x128xf32> -> vector<2000x128xf32>
    %swap3A = arith.constant 0 : index
    %swap3A_6 = arith.constant 0 : index
    %swap3A_7 = vector.load %arg4[%swap3A, %swap3A_6] : memref<2000x128xf32, #tpu.memory_space<vmem>>, vector<2000x128xf32>
    tpu.vector_store %arg4[%swap3A, %swap3A_6], %dot_general3A_5 {strides = array<i32>} : memref<2000x128xf32, #tpu.memory_space<vmem>>, vector<2000x128xf32>,
    %get3A_8 = arith.constant 0 : index
    %get3A_9 = arith.constant 0 : index
    %get3A_10 = vector.load %arg3[%get3A_8, %get3A_9] : memref<128x128xf32, #tpu.memory_space<vmem>>, vector<128x128xf32>
    %dot_general3A_11 = arith.constant dense<0.000000e+00> : vector<2000x128xf32>
    %dot_general3A_12 = tpu.matmul %get3A_1, %get3A_10, %dot_general3A_11 {dimension_numbers = #tpu.dot_dimension_numbers<[1], [0], [0], [1], [0, 0, 1, 1], [], []>, transpose_lhs_hint = false} : vector<2000x128xf32>, vector<128x128xf32>, vector<2000x128xf32> -> vector<2000x128xf32>
    %swap3A_13 = arith.constant 0 : index
    %swap3A_14 = arith.constant 0 : index
    %swap3A_15 = vector.load %arg5[%swap3A_13, %swap3A_14] : memref<2000x128xf32, #tpu.memory_space<vmem>>, vector<2000x128xf32>
    tpu.vector_store %arg5[%swap3A_13, %swap3A_14], %dot_general3A_12 {strides = array<i32>} : memref<2000x128xf32, #tpu.memory_space<vmem>>, vector<2000x128xf32>,
    return
  }
  func.func @transform_0(%arg0: i32) -> (i32, i32) {
    %c0_i32 = arith.constant 0 : i32
    %c0_i32_0 = arith.constant 0 : i32
    return %arg0, %c0_i32 : i32, i32
  }
  func.func @transform_1(%arg0: i32) -> (i32, i32) {
    %c0_i32 = arith.constant 0 : i32
    %c0_i32_0 = arith.constant 0 : i32
    %c0_i32_1 = arith.constant 0 : i32
    return %c0_i32, %c0_i32_0 : i32, i32
  }
  func.func @transform_2(%arg0: i32) -> (i32, i32) {
    %c0_i32 = arith.constant 0 : i32
    %c0_i32_0 = arith.constant 0 : i32
    %c0_i32_1 = arith.constant 0 : i32
    return %c0_i32, %c0_i32_0 : i32, i32
  }
  func.func @transform_3(%arg0: i32) -> (i32, i32) {
    %c0_i32 = arith.constant 0 : i32
    %c0_i32_0 = arith.constant 0 : i32
    return %arg0, %c0_i32 : i32, i32
  }
  func.func @transform_4(%arg0: i32) -> (i32, i32) {
    %c0_i32 = arith.constant 0 : i32
    %c0_i32_0 = arith.constant 0 : i32
    return %arg0, %c0_i32 : i32, i32
  }
}

module attributes {stable_mosaic.version = 14 : i64} {
  func.func @_edge_body(%arg0: i32, %arg1: memref<6400x128xf32, #tpu.memory_space<vmem>>, %arg2: memref<6400x128xf32, #tpu.memory_space<vmem>>, %arg3: memref<128x128xf32, #tpu.memory_space<vmem>>, %arg4: memref<1x128xf32, #tpu.memory_space<vmem>>, %arg5: memref<128x128xf32, #tpu.memory_space<vmem>>, %arg6: memref<1x128xf32, #tpu.memory_space<vmem>>, %arg7: memref<1x128xf32, #tpu.memory_space<vmem>>, %arg8: memref<1x128xf32, #tpu.memory_space<vmem>>, %arg9: memref<6400x128xf32, #tpu.memory_space<vmem>>) attributes {dimension_semantics = [#tpu.dimension_semantics<arbitrary>], iteration_bounds = array<i64: 50>, scalar_prefetch = 0 : i64, scratch_operands = 0 : i64, tpu.core_type = #tpu.core_type<tc>, window_params = [{transform_indices = @transform_0, window_bounds = array<i64: 6400, 128>}, {transform_indices = @transform_1, window_bounds = array<i64: 6400, 128>}, {pipeline_mode = #tpu.pipeline_mode<synchronous>, transform_indices = @transform_2, window_bounds = array<i64: 128, 128>}, {pipeline_mode = #tpu.pipeline_mode<synchronous>, transform_indices = @transform_3, window_bounds = array<i64: 1, 128>}, {pipeline_mode = #tpu.pipeline_mode<synchronous>, transform_indices = @transform_4, window_bounds = array<i64: 128, 128>}, {pipeline_mode = #tpu.pipeline_mode<synchronous>, transform_indices = @transform_5, window_bounds = array<i64: 1, 128>}, {pipeline_mode = #tpu.pipeline_mode<synchronous>, transform_indices = @transform_6, window_bounds = array<i64: 1, 128>}, {pipeline_mode = #tpu.pipeline_mode<synchronous>, transform_indices = @transform_7, window_bounds = array<i64: 1, 128>}, {transform_indices = @transform_8, window_bounds = array<i64: 6400, 128>}]} {
    %get3A = arith.constant 0 : index
    %get3A_0 = arith.constant 0 : index
    %get3A_1 = vector.load %arg2[%get3A, %get3A_0] : memref<6400x128xf32, #tpu.memory_space<vmem>>, vector<6400x128xf32>
    %get3A_2 = arith.constant 0 : index
    %get3A_3 = arith.constant 0 : index
    %get3A_4 = vector.load %arg1[%get3A_2, %get3A_3] : memref<6400x128xf32, #tpu.memory_space<vmem>>, vector<6400x128xf32>
    %get3A_5 = arith.constant 0 : index
    %get3A_6 = arith.constant 0 : index
    %get3A_7 = vector.load %arg3[%get3A_5, %get3A_6] : memref<128x128xf32, #tpu.memory_space<vmem>>, vector<128x128xf32>
    %dot_general3A = arith.constant dense<0.000000e+00> : vector<6400x128xf32>
    %dot_general3A_8 = tpu.matmul %get3A_1, %get3A_7, %dot_general3A {dimension_numbers = #tpu.dot_dimension_numbers<[1], [0], [0], [1], [0, 0, 1, 1], [], []>, transpose_lhs_hint = false} : vector<6400x128xf32>, vector<128x128xf32>, vector<6400x128xf32> -> vector<6400x128xf32>
    %add3A = arith.addf %get3A_4, %dot_general3A_8 : vector<6400x128xf32>
    %get3A_9 = arith.constant 0 : index
    %get3A_10 = arith.constant 0 : index
    %get3A_11 = vector.load %arg4[%get3A_9, %get3A_10] : memref<1x128xf32, #tpu.memory_space<vmem>>, vector<1x128xf32>
    %add3A_12 = vector.broadcast %get3A_11 : vector<1x128xf32> to vector<6400x128xf32>
    %add3A_13 = arith.addf %add3A, %add3A_12 : vector<6400x128xf32>
    %logistic3A = arith.negf %add3A_13 : vector<6400x128xf32>
    %logistic3A_14 = math.exp %logistic3A : vector<6400x128xf32>
    %logistic3A_15 = arith.constant 1.000000e+00 : f32
    %logistic3A_16 = vector.broadcast %logistic3A_15 : f32 to vector<6400x128xf32>
    %logistic3A_17 = arith.addf %logistic3A_16, %logistic3A_14 : vector<6400x128xf32>
    %logistic3A_18 = arith.divf %logistic3A_16, %logistic3A_17 : vector<6400x128xf32>
    %mul3A = arith.mulf %add3A_13, %logistic3A_18 : vector<6400x128xf32>
    %get3A_19 = arith.constant 0 : index
    %get3A_20 = arith.constant 0 : index
    %get3A_21 = vector.load %arg5[%get3A_19, %get3A_20] : memref<128x128xf32, #tpu.memory_space<vmem>>, vector<128x128xf32>
    %dot_general3A_22 = arith.constant dense<0.000000e+00> : vector<6400x128xf32>
    %dot_general3A_23 = tpu.matmul %mul3A, %get3A_21, %dot_general3A_22 {dimension_numbers = #tpu.dot_dimension_numbers<[1], [0], [0], [1], [0, 0, 1, 1], [], []>, transpose_lhs_hint = false} : vector<6400x128xf32>, vector<128x128xf32>, vector<6400x128xf32> -> vector<6400x128xf32>
    %get3A_24 = arith.constant 0 : index
    %get3A_25 = arith.constant 0 : index
    %get3A_26 = vector.load %arg6[%get3A_24, %get3A_25] : memref<1x128xf32, #tpu.memory_space<vmem>>, vector<1x128xf32>
    %add3A_27 = vector.broadcast %get3A_26 : vector<1x128xf32> to vector<6400x128xf32>
    %add3A_28 = arith.addf %dot_general3A_23, %add3A_27 : vector<6400x128xf32>
    %reduce_sum3A = arith.constant dense<0.000000e+00> : vector<6400xf32>
    %reduce_sum3A_29 = vector.multi_reduction <add>, %add3A_28, %reduce_sum3A [1] : vector<6400x128xf32> to vector<6400xf32>
    %broadcast_in_dim3A = vector.shape_cast %reduce_sum3A_29 : vector<6400xf32> to vector<6400x1xf32>
    %div3A = arith.constant 1.280000e+02 : f32
    %div3A_30 = vector.broadcast %div3A : f32 to vector<6400x1xf32>
    %div3A_31 = arith.divf %broadcast_in_dim3A, %div3A_30 : vector<6400x1xf32>
    %sub3A = vector.broadcast %div3A_31 : vector<6400x1xf32> to vector<6400x128xf32>
    %sub3A_32 = arith.subf %add3A_28, %sub3A : vector<6400x128xf32>
    %sub3A_33 = vector.broadcast %div3A_31 : vector<6400x1xf32> to vector<6400x128xf32>
    %sub3A_34 = arith.subf %add3A_28, %sub3A_33 : vector<6400x128xf32>
    %mul3A_35 = arith.mulf %sub3A_32, %sub3A_34 : vector<6400x128xf32>
    %reduce_sum3A_36 = arith.constant dense<0.000000e+00> : vector<6400xf32>
    %reduce_sum3A_37 = vector.multi_reduction <add>, %mul3A_35, %reduce_sum3A_36 [1] : vector<6400x128xf32> to vector<6400xf32>
    %broadcast_in_dim3A_38 = vector.shape_cast %reduce_sum3A_37 : vector<6400xf32> to vector<6400x1xf32>
    %div3A_39 = arith.constant 1.280000e+02 : f32
    %div3A_40 = vector.broadcast %div3A_39 : f32 to vector<6400x1xf32>
    %div3A_41 = arith.divf %broadcast_in_dim3A_38, %div3A_40 : vector<6400x1xf32>
    %sub3A_42 = vector.broadcast %div3A_31 : vector<6400x1xf32> to vector<6400x128xf32>
    %sub3A_43 = arith.subf %add3A_28, %sub3A_42 : vector<6400x128xf32>
    %add3A_44 = arith.constant 9.99999974E-6 : f32
    %add3A_45 = vector.broadcast %add3A_44 : f32 to vector<6400x1xf32>
    %add3A_46 = arith.addf %div3A_41, %add3A_45 : vector<6400x1xf32>
    %rsqrt3A = math.rsqrt %add3A_46 : vector<6400x1xf32>
    %mul3A_47 = vector.broadcast %rsqrt3A : vector<6400x1xf32> to vector<6400x128xf32>
    %mul3A_48 = arith.mulf %sub3A_43, %mul3A_47 : vector<6400x128xf32>
    %get3A_49 = arith.constant 0 : index
    %get3A_50 = arith.constant 0 : index
    %get3A_51 = vector.load %arg7[%get3A_49, %get3A_50] : memref<1x128xf32, #tpu.memory_space<vmem>>, vector<1x128xf32>
    %mul3A_52 = vector.broadcast %get3A_51 : vector<1x128xf32> to vector<6400x128xf32>
    %mul3A_53 = arith.mulf %mul3A_48, %mul3A_52 : vector<6400x128xf32>
    %get3A_54 = arith.constant 0 : index
    %get3A_55 = arith.constant 0 : index
    %get3A_56 = vector.load %arg8[%get3A_54, %get3A_55] : memref<1x128xf32, #tpu.memory_space<vmem>>, vector<1x128xf32>
    %add3A_57 = vector.broadcast %get3A_56 : vector<1x128xf32> to vector<6400x128xf32>
    %add3A_58 = arith.addf %mul3A_53, %add3A_57 : vector<6400x128xf32>
    %add3A_59 = arith.addf %add3A_58, %get3A_1 : vector<6400x128xf32>
    %swap3A = arith.constant 0 : index
    %swap3A_60 = arith.constant 0 : index
    %swap3A_61 = vector.load %arg9[%swap3A, %swap3A_60] : memref<6400x128xf32, #tpu.memory_space<vmem>>, vector<6400x128xf32>
    tpu.vector_store %arg9[%swap3A, %swap3A_60], %add3A_59 {strides = array<i32>} : memref<6400x128xf32, #tpu.memory_space<vmem>>, vector<6400x128xf32>,
    return
  }
  func.func @transform_0(%arg0: i32) -> (i32, i32) {
    %c0_i32 = arith.constant 0 : i32
    %c0_i32_0 = arith.constant 0 : i32
    return %arg0, %c0_i32 : i32, i32
  }
  func.func @transform_1(%arg0: i32) -> (i32, i32) {
    %c0_i32 = arith.constant 0 : i32
    %c0_i32_0 = arith.constant 0 : i32
    return %arg0, %c0_i32 : i32, i32
  }
  func.func @transform_2(%arg0: i32) -> (i32, i32) {
    %c0_i32 = arith.constant 0 : i32
    %c0_i32_0 = arith.constant 0 : i32
    %c0_i32_1 = arith.constant 0 : i32
    return %c0_i32, %c0_i32_0 : i32, i32
  }
  func.func @transform_3(%arg0: i32) -> (i32, i32) {
    %c0_i32 = arith.constant 0 : i32
    %c0_i32_0 = arith.constant 0 : i32
    %c0_i32_1 = arith.constant 0 : i32
    return %c0_i32, %c0_i32_0 : i32, i32
  }
  func.func @transform_4(%arg0: i32) -> (i32, i32) {
    %c0_i32 = arith.constant 0 : i32
    %c0_i32_0 = arith.constant 0 : i32
    %c0_i32_1 = arith.constant 0 : i32
    return %c0_i32, %c0_i32_0 : i32, i32
  }
  func.func @transform_5(%arg0: i32) -> (i32, i32) {
    %c0_i32 = arith.constant 0 : i32
    %c0_i32_0 = arith.constant 0 : i32
    %c0_i32_1 = arith.constant 0 : i32
    return %c0_i32, %c0_i32_0 : i32, i32
  }
  func.func @transform_6(%arg0: i32) -> (i32, i32) {
    %c0_i32 = arith.constant 0 : i32
    %c0_i32_0 = arith.constant 0 : i32
    %c0_i32_1 = arith.constant 0 : i32
    return %c0_i32, %c0_i32_0 : i32, i32
  }
  func.func @transform_7(%arg0: i32) -> (i32, i32) {
    %c0_i32 = arith.constant 0 : i32
    %c0_i32_0 = arith.constant 0 : i32
    %c0_i32_1 = arith.constant 0 : i32
    return %c0_i32, %c0_i32_0 : i32, i32
  }
  func.func @transform_8(%arg0: i32) -> (i32, i32) {
    %c0_i32 = arith.constant 0 : i32
    %c0_i32_0 = arith.constant 0 : i32
    return %arg0, %c0_i32 : i32, i32
  }
}

module attributes {stable_mosaic.version = 14 : i64} {
  func.func @_node_body(%arg0: i32, %arg1: memref<2000x128xf32, #tpu.memory_space<vmem>>, %arg2: memref<2000x128xf32, #tpu.memory_space<vmem>>, %arg3: memref<2000x128xf32, #tpu.memory_space<vmem>>, %arg4: memref<128x128xf32, #tpu.memory_space<vmem>>, %arg5: memref<128x128xf32, #tpu.memory_space<vmem>>, %arg6: memref<1x128xf32, #tpu.memory_space<vmem>>, %arg7: memref<128x128xf32, #tpu.memory_space<vmem>>, %arg8: memref<1x128xf32, #tpu.memory_space<vmem>>, %arg9: memref<1x128xf32, #tpu.memory_space<vmem>>, %arg10: memref<1x128xf32, #tpu.memory_space<vmem>>, %arg11: memref<2000x128xf32, #tpu.memory_space<vmem>>) attributes {dimension_semantics = [#tpu.dimension_semantics<arbitrary>], iteration_bounds = array<i64: 5>, scalar_prefetch = 0 : i64, scratch_operands = 0 : i64, tpu.core_type = #tpu.core_type<tc>, window_params = [{transform_indices = @transform_0, window_bounds = array<i64: 2000, 128>}, {transform_indices = @transform_1, window_bounds = array<i64: 2000, 128>}, {transform_indices = @transform_2, window_bounds = array<i64: 2000, 128>}, {pipeline_mode = #tpu.pipeline_mode<synchronous>, transform_indices = @transform_3, window_bounds = array<i64: 128, 128>}, {pipeline_mode = #tpu.pipeline_mode<synchronous>, transform_indices = @transform_4, window_bounds = array<i64: 128, 128>}, {pipeline_mode = #tpu.pipeline_mode<synchronous>, transform_indices = @transform_5, window_bounds = array<i64: 1, 128>}, {pipeline_mode = #tpu.pipeline_mode<synchronous>, transform_indices = @transform_6, window_bounds = array<i64: 128, 128>}, {pipeline_mode = #tpu.pipeline_mode<synchronous>, transform_indices = @transform_7, window_bounds = array<i64: 1, 128>}, {pipeline_mode = #tpu.pipeline_mode<synchronous>, transform_indices = @transform_8, window_bounds = array<i64: 1, 128>}, {pipeline_mode = #tpu.pipeline_mode<synchronous>, transform_indices = @transform_9, window_bounds = array<i64: 1, 128>}, {transform_indices = @transform_10, window_bounds = array<i64: 2000, 128>}]} {
    %get3A = arith.constant 0 : index
    %get3A_0 = arith.constant 0 : index
    %get3A_1 = vector.load %arg1[%get3A, %get3A_0] : memref<2000x128xf32, #tpu.memory_space<vmem>>, vector<2000x128xf32>
    %get3A_2 = arith.constant 0 : index
    %get3A_3 = arith.constant 0 : index
    %get3A_4 = vector.load %arg2[%get3A_2, %get3A_3] : memref<2000x128xf32, #tpu.memory_space<vmem>>, vector<2000x128xf32>
    %get3A_5 = arith.constant 0 : index
    %get3A_6 = arith.constant 0 : index
    %get3A_7 = vector.load %arg3[%get3A_5, %get3A_6] : memref<2000x128xf32, #tpu.memory_space<vmem>>, vector<2000x128xf32>
    %add3A = arith.addf %get3A_4, %get3A_7 : vector<2000x128xf32>
    %get3A_8 = arith.constant 0 : index
    %get3A_9 = arith.constant 0 : index
    %get3A_10 = vector.load %arg4[%get3A_8, %get3A_9] : memref<128x128xf32, #tpu.memory_space<vmem>>, vector<128x128xf32>
    %dot_general3A = arith.constant dense<0.000000e+00> : vector<2000x128xf32>
    %dot_general3A_11 = tpu.matmul %get3A_1, %get3A_10, %dot_general3A {dimension_numbers = #tpu.dot_dimension_numbers<[1], [0], [0], [1], [0, 0, 1, 1], [], []>, transpose_lhs_hint = false} : vector<2000x128xf32>, vector<128x128xf32>, vector<2000x128xf32> -> vector<2000x128xf32>
    %get3A_12 = arith.constant 0 : index
    %get3A_13 = arith.constant 0 : index
    %get3A_14 = vector.load %arg5[%get3A_12, %get3A_13] : memref<128x128xf32, #tpu.memory_space<vmem>>, vector<128x128xf32>
    %dot_general3A_15 = arith.constant dense<0.000000e+00> : vector<2000x128xf32>
    %dot_general3A_16 = tpu.matmul %add3A, %get3A_14, %dot_general3A_15 {dimension_numbers = #tpu.dot_dimension_numbers<[1], [0], [0], [1], [0, 0, 1, 1], [], []>, transpose_lhs_hint = false} : vector<2000x128xf32>, vector<128x128xf32>, vector<2000x128xf32> -> vector<2000x128xf32>
    %add3A_17 = arith.addf %dot_general3A_11, %dot_general3A_16 : vector<2000x128xf32>
    %get3A_18 = arith.constant 0 : index
    %get3A_19 = arith.constant 0 : index
    %get3A_20 = vector.load %arg6[%get3A_18, %get3A_19] : memref<1x128xf32, #tpu.memory_space<vmem>>, vector<1x128xf32>
    %add3A_21 = vector.broadcast %get3A_20 : vector<1x128xf32> to vector<2000x128xf32>
    %add3A_22 = arith.addf %add3A_17, %add3A_21 : vector<2000x128xf32>
    %logistic3A = arith.negf %add3A_22 : vector<2000x128xf32>
    %logistic3A_23 = math.exp %logistic3A : vector<2000x128xf32>
    %logistic3A_24 = arith.constant 1.000000e+00 : f32
    %logistic3A_25 = vector.broadcast %logistic3A_24 : f32 to vector<2000x128xf32>
    %logistic3A_26 = arith.addf %logistic3A_25, %logistic3A_23 : vector<2000x128xf32>
    %logistic3A_27 = arith.divf %logistic3A_25, %logistic3A_26 : vector<2000x128xf32>
    %mul3A = arith.mulf %add3A_22, %logistic3A_27 : vector<2000x128xf32>
    %get3A_28 = arith.constant 0 : index
    %get3A_29 = arith.constant 0 : index
    %get3A_30 = vector.load %arg7[%get3A_28, %get3A_29] : memref<128x128xf32, #tpu.memory_space<vmem>>, vector<128x128xf32>
    %dot_general3A_31 = arith.constant dense<0.000000e+00> : vector<2000x128xf32>
    %dot_general3A_32 = tpu.matmul %mul3A, %get3A_30, %dot_general3A_31 {dimension_numbers = #tpu.dot_dimension_numbers<[1], [0], [0], [1], [0, 0, 1, 1], [], []>, transpose_lhs_hint = false} : vector<2000x128xf32>, vector<128x128xf32>, vector<2000x128xf32> -> vector<2000x128xf32>
    %get3A_33 = arith.constant 0 : index
    %get3A_34 = arith.constant 0 : index
    %get3A_35 = vector.load %arg8[%get3A_33, %get3A_34] : memref<1x128xf32, #tpu.memory_space<vmem>>, vector<1x128xf32>
    %add3A_36 = vector.broadcast %get3A_35 : vector<1x128xf32> to vector<2000x128xf32>
    %add3A_37 = arith.addf %dot_general3A_32, %add3A_36 : vector<2000x128xf32>
    %reduce_sum3A = arith.constant dense<0.000000e+00> : vector<2000xf32>
    %reduce_sum3A_38 = vector.multi_reduction <add>, %add3A_37, %reduce_sum3A [1] : vector<2000x128xf32> to vector<2000xf32>
    %broadcast_in_dim3A = vector.shape_cast %reduce_sum3A_38 : vector<2000xf32> to vector<2000x1xf32>
    %div3A = arith.constant 1.280000e+02 : f32
    %div3A_39 = vector.broadcast %div3A : f32 to vector<2000x1xf32>
    %div3A_40 = arith.divf %broadcast_in_dim3A, %div3A_39 : vector<2000x1xf32>
    %sub3A = vector.broadcast %div3A_40 : vector<2000x1xf32> to vector<2000x128xf32>
    %sub3A_41 = arith.subf %add3A_37, %sub3A : vector<2000x128xf32>
    %sub3A_42 = vector.broadcast %div3A_40 : vector<2000x1xf32> to vector<2000x128xf32>
    %sub3A_43 = arith.subf %add3A_37, %sub3A_42 : vector<2000x128xf32>
    %mul3A_44 = arith.mulf %sub3A_41, %sub3A_43 : vector<2000x128xf32>
    %reduce_sum3A_45 = arith.constant dense<0.000000e+00> : vector<2000xf32>
    %reduce_sum3A_46 = vector.multi_reduction <add>, %mul3A_44, %reduce_sum3A_45 [1] : vector<2000x128xf32> to vector<2000xf32>
    %broadcast_in_dim3A_47 = vector.shape_cast %reduce_sum3A_46 : vector<2000xf32> to vector<2000x1xf32>
    %div3A_48 = arith.constant 1.280000e+02 : f32
    %div3A_49 = vector.broadcast %div3A_48 : f32 to vector<2000x1xf32>
    %div3A_50 = arith.divf %broadcast_in_dim3A_47, %div3A_49 : vector<2000x1xf32>
    %sub3A_51 = vector.broadcast %div3A_40 : vector<2000x1xf32> to vector<2000x128xf32>
    %sub3A_52 = arith.subf %add3A_37, %sub3A_51 : vector<2000x128xf32>
    %add3A_53 = arith.constant 9.99999974E-6 : f32
    %add3A_54 = vector.broadcast %add3A_53 : f32 to vector<2000x1xf32>
    %add3A_55 = arith.addf %div3A_50, %add3A_54 : vector<2000x1xf32>
    %rsqrt3A = math.rsqrt %add3A_55 : vector<2000x1xf32>
    %mul3A_56 = vector.broadcast %rsqrt3A : vector<2000x1xf32> to vector<2000x128xf32>
    %mul3A_57 = arith.mulf %sub3A_52, %mul3A_56 : vector<2000x128xf32>
    %get3A_58 = arith.constant 0 : index
    %get3A_59 = arith.constant 0 : index
    %get3A_60 = vector.load %arg9[%get3A_58, %get3A_59] : memref<1x128xf32, #tpu.memory_space<vmem>>, vector<1x128xf32>
    %mul3A_61 = vector.broadcast %get3A_60 : vector<1x128xf32> to vector<2000x128xf32>
    %mul3A_62 = arith.mulf %mul3A_57, %mul3A_61 : vector<2000x128xf32>
    %get3A_63 = arith.constant 0 : index
    %get3A_64 = arith.constant 0 : index
    %get3A_65 = vector.load %arg10[%get3A_63, %get3A_64] : memref<1x128xf32, #tpu.memory_space<vmem>>, vector<1x128xf32>
    %add3A_66 = vector.broadcast %get3A_65 : vector<1x128xf32> to vector<2000x128xf32>
    %add3A_67 = arith.addf %mul3A_62, %add3A_66 : vector<2000x128xf32>
    %add3A_68 = arith.addf %add3A_67, %get3A_1 : vector<2000x128xf32>
    %swap3A = arith.constant 0 : index
    %swap3A_69 = arith.constant 0 : index
    %swap3A_70 = vector.load %arg11[%swap3A, %swap3A_69] : memref<2000x128xf32, #tpu.memory_space<vmem>>, vector<2000x128xf32>
    tpu.vector_store %arg11[%swap3A, %swap3A_69], %add3A_68 {strides = array<i32>} : memref<2000x128xf32, #tpu.memory_space<vmem>>, vector<2000x128xf32>,
    return
  }
  func.func @transform_0(%arg0: i32) -> (i32, i32) {
    %c0_i32 = arith.constant 0 : i32
    %c0_i32_0 = arith.constant 0 : i32
    return %arg0, %c0_i32 : i32, i32
  }
  func.func @transform_1(%arg0: i32) -> (i32, i32) {
    %c0_i32 = arith.constant 0 : i32
    %c0_i32_0 = arith.constant 0 : i32
    return %arg0, %c0_i32 : i32, i32
  }
  func.func @transform_2(%arg0: i32) -> (i32, i32) {
    %c0_i32 = arith.constant 0 : i32
    %c0_i32_0 = arith.constant 0 : i32
    return %arg0, %c0_i32 : i32, i32
  }
  func.func @transform_3(%arg0: i32) -> (i32, i32) {
    %c0_i32 = arith.constant 0 : i32
    %c0_i32_0 = arith.constant 0 : i32
    %c0_i32_1 = arith.constant 0 : i32
    return %c0_i32, %c0_i32_0 : i32, i32
  }
  func.func @transform_4(%arg0: i32) -> (i32, i32) {
    %c0_i32 = arith.constant 0 : i32
    %c0_i32_0 = arith.constant 0 : i32
    %c0_i32_1 = arith.constant 0 : i32
    return %c0_i32, %c0_i32_0 : i32, i32
  }
  func.func @transform_5(%arg0: i32) -> (i32, i32) {
    %c0_i32 = arith.constant 0 : i32
    %c0_i32_0 = arith.constant 0 : i32
    %c0_i32_1 = arith.constant 0 : i32
    return %c0_i32, %c0_i32_0 : i32, i32
  }
  func.func @transform_6(%arg0: i32) -> (i32, i32) {
    %c0_i32 = arith.constant 0 : i32
    %c0_i32_0 = arith.constant 0 : i32
    %c0_i32_1 = arith.constant 0 : i32
    return %c0_i32, %c0_i32_0 : i32, i32
  }
  func.func @transform_7(%arg0: i32) -> (i32, i32) {
    %c0_i32 = arith.constant 0 : i32
    %c0_i32_0 = arith.constant 0 : i32
    %c0_i32_1 = arith.constant 0 : i32
    return %c0_i32, %c0_i32_0 : i32, i32
  }
  func.func @transform_8(%arg0: i32) -> (i32, i32) {
    %c0_i32 = arith.constant 0 : i32
    %c0_i32_0 = arith.constant 0 : i32
    %c0_i32_1 = arith.constant 0 : i32
    return %c0_i32, %c0_i32_0 : i32, i32
  }
  func.func @transform_9(%arg0: i32) -> (i32, i32) {
    %c0_i32 = arith.constant 0 : i32
    %c0_i32_0 = arith.constant 0 : i32
    %c0_i32_1 = arith.constant 0 : i32
    return %c0_i32, %c0_i32_0 : i32, i32
  }
  func.func @transform_10(%arg0: i32) -> (i32, i32) {
    %c0_i32 = arith.constant 0 : i32
    %c0_i32_0 = arith.constant 0 : i32
    return %arg0, %c0_i32 : i32, i32
  }
}

</mosaic_0001>

<sc_bundles>
// kernel: kernel.10.cloned.1.call-start
scs
__scs_entry_jumppad:
0x0: {  	(pc) =	sbr.rel $0x88, $3  }
0x1: {  	(tag) =	ssettag $0x0;
	lr =	simm.s32 $0x1  }
0x2: {  	[smem:$0x3F92] =	sst lr;
	_ =	strace $0xD0000000  }
0x3: {  	_ = 	snop  }
0x4: {  	_ = 	snop  }
0x5: {  	_ = 	snop  }
0x6: {  	_ = 	snop  }
0x7: {  	_ = 	snop  }
__scs_overlays_trampoline_lowered:
0x8: {  	[smem:$0x3FA1] =	sst s0  }
0x9: {  	[smem:$0x3FA2] =	sst s1  }
0xa: {  	[smem:$0x3FA3] =	sst s2  }
0xb: {  	[smem:$0x3FA4] =	sst s3  }
0xc: {  	[smem:$0x3FA5] =	sst s4  }
0xd: {  	[smem:$0x3FA6] =	sst s5  }
0xe: {  	[smem:$0x3FA7] =	sst s6  }
0xf: {  	[smem:$0x3FA8] =	sst s7  }
0x10: {  	[smem:$0x3FA9] =	sst s8  }
0x11: {  	[smem:$0x3FAA] =	sst s9;
	s0 =	simm.s32 @!p0 $0x0  }
0x12: {  	s1 =	sld [smem:$0x3F90];
	s0 =	simm.s32 @p0 $0x1  }
0x13: {  	[smem:$0x3FAB] =	sst s0;
	s0 =	simm.s32 @!p1 $0x0  }
0x14: {  	s2 =	sld [smem:$0x3F8F];
	s0 =	simm.s32 @p1 $0x1  }
0x15: {  	[smem:$0x3FAC] =	sst s0;
	s0 =	simm.s32 @!p2 $0x0  }
0x16: {  	s3 =	sld [smem:$0x3FDB];
	s0 =	simm.s32 @p2 $0x1  }
0x17: {  	s4 =	simm.s32 $0x1BF5;
	[smem:$0x3FAE] =	sst s0  }
0x18: {  	s0 =	sld [smem:$0x3F91];
	_ =	swait.ge [sflag:s4], $0x0  }
0x19: {  	s7 =	sld [smem:$0x3F92]  }
0x1a: {  	s8 =	sadd.s32 $0xFFFFE003, lr  }
0x1b: {  	s9 =	sadd.s32 $0xFFFFFEF7, lr;
	s5 =	simm.s32 $0xFFFFFFFF;
	p2 =	slt.u32 s8, $0xFFFFF086  }
0x1c: {  	p1 =	slt.u32 s9, $0xF7A;
	s5 =	simm.s32 @!p2 $0x0  }
0x1d: {  	s5 =	simm.s32 @p1 $0x1;
	p0 =	seq.s32 s7, s2  }
0x1e: {  	s7 =	smul.u32 @!p0 $0xF7A, s2;
	p2 =	seq.s32 @!p0 s5, $0x0  }
0x1f: {  	s9 =	smul.u32 $0xF7A, s1;
	s8 =	simm.s32 @!p0 $0x1BF5;
	p2 =	por !p2, p0  }
0x20: {  	[sflag:s8] =	ssyncset.s32 @!p0 $0xFFFFF086;
	s6 =	sadd.s32 @!p0 s3, s7;
	s7 =	simm.s32 @!p0 $0x108  }
0x21: {  	s3 =	sadd.s32 s3, s9;
	s6 =	sadd.s32 @!p0 $0x88, s6;
	s7 =	simm.s32 @p2 $0x1082  }
0x22: {  	[simem:s7], [sflag:s8] =	dma.local @!p0 [hbm:s6], $0xF7A  }
0x23: {  	s9 =	sor.u32 $0xD0000000, s2;
	s6 =	simm.s32 $0x108;
	_ =	swait.ge @!p0 [sflag:s8], $0x0  }
0x24: {  	s3 =	sadd.s32 $0x88, s3;
	s6 =	simm.s32 @!p1 $0x1082;
	[sflag:s4] =	ssyncset.s32 $0xFFFFF086  }
0x25: {  	[simem:s6], [sflag:s4] =	dma.local [hbm:s3], $0xF7A  }
0x26: {  	[smem:$0x3F92] =	sst s1;
	(tag) =	ssettag s2;
	_ =	strace s9  }
0x27: {  	s1 =	sld [smem:$0x3FA2]  }
0x28: {  	s2 =	sld [smem:$0x3FA3]  }
0x29: {  	s4 =	sld [smem:$0x3FA5]  }
0x2a: {  	p0 =	seq.s32 s5, $0x0;
	s5 =	sld [smem:$0x3FA6]  }
0x2b: {  	s6 =	sld [smem:$0x3FA7]  }
0x2c: {  	s7 =	sld [smem:$0x3FA8]  }
0x2d: {  	s3 =	simm.s32 $0x108;
	s8 =	sld [smem:$0x3FA9]  }
0x2e: {  	s3 =	simm.s32 @!p0 $0x1082;
	s9 =	sld [smem:$0x3FAA]  }
0x2f: {  	lr =	sadd.s32 s0, s3;
	s0 =	sld [smem:$0x3FA1]  }
0x30: {  	s3 =	sld [smem:$0x3FA4]  }
0x31: {  	[smem:$0x3FAD] =	sst s10  }
0x32: {  	s10 =	sld [smem:$0x3FAB];
	_ =	sdelay $0x3  }
0x33: {  	p0 =	seq.s32 s10, $0x1;
	s10 =	sld [smem:$0x3FAD];
	_ =	sdelay $0x3  }
0x34: {  	[smem:$0x3FAD] =	sst s10  }
0x35: {  	s10 =	sld [smem:$0x3FAC];
	_ =	sdelay $0x3  }
0x36: {  	p1 =	seq.s32 s10, $0x1;
	s10 =	sld [smem:$0x3FAD];
	_ =	sdelay $0x3  }
0x37: {  	[smem:$0x3FAD] =	sst s10  }
0x38: {  	s10 =	sld [smem:$0x3FAE]  }
0x39: {  	_ = 	snop;
	(pc) =	sbr.ind lr, $3  }
0x3a: {  	_ = 	snop  }
0x3b: {  	_ = 	snop  }
0x3c: {  	p2 =	seq.s32 s10, $0x1;
	s10 =	sld [smem:$0x3FAD]  }
0x3d: {  	_ =	shalt  }
0x3e: {  	_ =	shalt  }
0x3f: {  	_ =	shalt  }
0x40: {  	_ =	shalt  }
0x41: {  	_ =	shalt  }
0x42: {  	_ =	shalt  }
0x43: {  	_ =	shalt  }
0x44: {  	_ =	shalt  }
0x45: {  	_ =	shalt  }
0x46: {  	_ =	shalt  }
0x47: {  	_ =	shalt  }
0x48: {  	_ =	shalt  }
0x49: {  	_ =	shalt  }
0x4a: {  	_ =	shalt  }
0x4b: {  	_ =	shalt  }
0x4c: {  	_ =	shalt  }
0x4d: {  	_ =	shalt  }
0x4e: {  	_ =	shalt  }
0x4f: {  	_ =	shalt  }
0x50: {  	_ =	shalt  }
0x51: {  	_ =	shalt  }
0x52: {  	_ =	shalt  }
0x53: {  	_ =	shalt  }
0x54: {  	_ =	shalt  }
0x55: {  	_ =	shalt  }
0x56: {  	_ =	shalt  }
0x57: {  	_ =	shalt  }
0x58: {  	_ =	shalt  }
0x59: {  	_ =	shalt  }
0x5a: {  	_ =	shalt  }
0x5b: {  	_ =	shalt  }
0x5c: {  	_ =	shalt  }
0x5d: {  	_ =	shalt  }
0x5e: {  	_ =	shalt  }
0x5f: {  	_ =	shalt  }
0x60: {  	_ =	shalt  }
0x61: {  	_ =	shalt  }
0x62: {  	_ =	shalt  }
0x63: {  	_ =	shalt  }
0x64: {  	_ =	shalt  }
0x65: {  	_ =	shalt  }
0x66: {  	_ =	shalt  }
0x67: {  	_ =	shalt  }
0x68: {  	_ =	shalt  }
0x69: {  	_ =	shalt  }
0x6a: {  	_ =	shalt  }
0x6b: {  	_ =	shalt  }
0x6c: {  	_ =	shalt  }
0x6d: {  	_ =	shalt  }
0x6e: {  	_ =	shalt  }
0x6f: {  	_ =	shalt  }
0x70: {  	_ =	shalt  }
0x71: {  	_ =	shalt  }
0x72: {  	_ =	shalt  }
0x73: {  	_ =	shalt  }
0x74: {  	_ =	shalt  }
0x75: {  	_ =	shalt  }
0x76: {  	_ =	shalt  }
0x77: {  	_ =	shalt  }
0x78: {  	_ =	shalt  }
0x79: {  	_ =	shalt  }
0x7a: {  	_ =	shalt  }
0x7b: {  	_ =	shalt  }
0x7c: {  	_ =	shalt  }
0x7d: {  	_ =	shalt  }
0x7e: {  	_ =	shalt  }
0x7f: {  	_ =	shalt  }
0x80: {  	_ =	shalt  }
0x81: {  	_ =	shalt  }
0x82: {  	_ =	shalt  }
0x83: {  	_ =	shalt  }
0x84: {  	_ =	shalt  }
0x85: {  	_ =	shalt  }
0x86: {  	_ =	shalt  }
0x87: {  	_ =	shalt  }
.Lfunc_end0:
.L_simem_size_0:
called_computation.1_lowered:
.L_overlay_start_0:
0x88: {  	s2 =	sld [smem:$0x3FD9]  }
0x89: {  	s3 =	sld [smem:$0x3FFE];
	_ =	sdelay $0x1  }
0x8a: {  	s1 =	srdreg.scid  }
0x8b: {  	s0 =	sand.u32 $0x1, s1  }
0x8c: {  	s14 =	sshll.u32 s0, $0xA;
	s2 =	sadd.s32 s3, s2  }
0x8d: {  	s2 =	sadd.s32 s2, s14  }
0x8e: {  	[smem:$0x3FB9] =	sst s2  }
0x8f: {  	_ = 	snop  }
0x90: {  	s2 =	sld [smem:$0x3FD0];
	_ =	sdelay $0x2  }
0x91: {  	s15 =	simm.s32 $0xA;
	s4 =	simm.s32 $0x10  }
0x92: {  	[smem:s4], [sflag:s15] =	dma.local [hbm:s2], $0x1  }
0x93: {  	_ =	swait.eq [sflag:s15], $0x1  }
0x94: {  	[sflag:s15] =	ssyncset.done $0x0  }
0x95: {  	s16 =	sld [smem:$0x10];
	[sflag:s15] =	ssyncadd.s32 $0xFFFFFFFF  }
0x96: {  	s17 =	sld [smem:$0x11];
	(tm) =	ssettm $0x1  }
0x97: {  	s18 =	sld [smem:$0x3FFB];
	_ =	sdelay $0x3  }
0x98: {  	_ =	strace s18  }
0x99: {  	s4 =	sld [smem:$0x3FFC];
	_ =	sdelay $0x3  }
0x9a: {  	_ =	strace s4  }
0x9b: {  	s4 =	sld [smem:$0x3FFD];
	_ =	sdelay $0x3  }
0x9c: {  	_ =	strace s4  }
0x9d: {  	_ =	strace $0x8FFFFFFF  }
0x9e: {  	s19 =	sld [smem:$0x3FDB];
	_ =	sdelay $0x1  }
0x9f: {  	s5 =	simm.s32 $_scs_section_size  }
0xa0: {  	s6 =	simm.s32 $_size__tile_overlayer_lowered;
	s7 =	simm.s32 $_tile_overlayer_lowered  }
0xa1: {  	s22 =	simm.s32 $0x1BFF;
	s21 =	sshll.u32 s7, $0x1;
	s4 =	sadd.s32 s5, s19  }
0xa2: {  	s8 =	simm.s32 $0x0;
	s20 =	sshll.u32 s6, $0x1;
	s6 =	sadd.s32 s21, s4  }
0xa3: {  	[timem:s8], [sflag:s22] =	dma.local [hbm:s6], s20  }
0xa4: {  	_ =	swait.ge [sflag:s22], s20  }
0xa5: {  	s5 =	ssub.s32 $0x0, s20;
	[sflag:s22] =	ssyncset.done $0x0  }
0xa6: {  	[sflag:s22] =	ssyncadd.s32 s5;
	_ =	sdelay $0x1  }
0xa7: {  	s23 =	simm.s32 $0x1B8B  }
0xa8: {  	_ =	swait.ge [sflag:s23], $0x1  }
0xa9: {  	[sflag:s23] =	ssyncset.done $0x0  }
0xaa: {  	s25 =	simm.s32 $0x1B8E;
	s24 =	sld [smem:$0x3FFE];
	[sflag:s23] =	ssyncadd.s32 $0xFFFFFFFF  }
0xab: {  	s26 =	simm.s32 $execute0_lowered;
	[smem:$0x3FD2] =	sst s25  }
0xac: {  	s6 =	sshll.u32 s26, $0x1;
	_ =	strace $0x80000049;
	[dreg:$0x1] =	wrdreg $0xFFFFFFFF  }
0xad: {  	s28 =	simm.s32 $_size_execute0_lowered;
	s4 =	sadd.s32 s4, s6;
	[dreg:$0x0] =	wrdreg $0x0  }
0xae: {  	s6 =	sshll.u32 s28, $0x1;
	[dreg:$0x2] =	wrdreg s4  }
0xaf: {  	[dreg:$0x3] =	wrdreg s6  }
0xb0: {  	[dreg:$0x4] =	wrdreg $0xC0  }
0xb1: {  	_ =	task [dreg:s8], $0x5FFFF  }
0xb2: {  	[dreg:$0x1] =	wrdreg $0xFFFFFFFF  }
0xb3: {  	[dreg:$0x0] =	wrdreg $0x60  }
0xb4: {  	[dreg:$0x2] =	wrdreg s17  }
0xb5: {  	[dreg:$0x3] =	wrdreg s24  }
0xb6: {  	[dreg:$0x4] =	wrdreg s16  }
0xb7: {  	[dreg:$0x5] =	wrdreg $0x90000  }
0xb8: {  	[dreg:$0x6] =	wrdreg $0x9  }
0xb9: {  	_ =	task.clear_ibuf [dreg:s8], $0x7FFFF;
	_ =	strace $0x90000049  }
0xba: {  	s29 =	simm.s32 $0x9;
	_ =	strace $0x8000004B  }
0xbb: {  	_ =	swait.ge [sflag:s29], $0x1  }
0xbc: {  	[sflag:s29] =	ssyncadd.s32 $0xFFFFFFFF  }
0xbd: {  	_ =	strace $0x9000004B  }
0xbe: {  	_ =	sfence  }
0xbf: {  	s30 =	sld [smem:$0x0];
	_ =	sdelay $0x2  }
0xc0: {  	s31 =	sshll.u32 s1, $0xD;
	s1 =	sshrl.u32 s1, $0x2  }
0xc1: {  	s3 =	sand.u32 $0x4000, s31;
	s1 =	sadd.s32 s1, s30  }
0xc2: {  	s0 =	sor.u32 s3, s0;
	s1 =	sshll.u32 s1, $0x11  }
0xc3: {  	s0 =	sor.u32 s1, s0  }
0xc4: {  	s0 =	sadd.s32 $0x8F2B, s0  }
0xc5: {  	[sflag:s0] =	ssyncadd.remote.s32 $0x1  }
0xc6: {  	_ =	sfence.sel $0xFFFF  }
0xc7: {  	[dreg:$0x0] =	wrdreg $0xFFFFFFFF;
	(pc) =	sbr.abs _section_cstart, $3  }
0xc8: {  	[dreg:$0x1] =	wrdreg $0xFFFFFFFF  }
0xc9: {  	_ =	task.clear_ibuf [dreg:s8], $0x2FFFF;
	_ =	strace $0x9FFFFFFF  }
0xca: {  	(tm) =	ssettm $0x7FFFFFFF  }
0xcb: {  	_ =	shalt  }
tec
execute0_lowered:
.L_overlay_start_1:
0x0: {  	(tag) =	ssettag $0x1  }
0x1: {  	s9 =	rddreg [dreg:$0x0]  }
0x2: {  	s5 =	rddreg [dreg:$0x1]  }
0x3: {  	s2 =	rddreg [dreg:$0x2]  }
0x4: {  	s3 =	rddreg [dreg:$0x3];
	s4 =	srdreg.scid  }
0x5: {  	s0 =	rddreg [dreg:$0x4];
	s1 =	stileid.u32  }
0x6: {  	s15 =	simm.s32 $0x4000;
	s16 =	simm.s32 $0x6800;
	s17 =	simm.s32 $0x1  }
0x7: {  	s18 =	simm.s32 $0x50;
	s19 =	simm.s32 $0x3;
	s20 =	simm.s32 $0x2  }
0x8: {  	s21 =	simm.s32 $0x4;
	s22 =	simm.s32 $0x3D00;
	s8 =	smul.u32 $0x2800, s1  }
0x9: {  	s23 =	simm.s32 $0x3D80;
	s6 =	sand.u32 $0x1, s4;
	s12 =	smul.u32 $0x50000, s1  }
0xa: {  	s4 =	simm.s32 $0x0;
	s29 =	sshll.u32 s1, $0x6;
	s31 =	smul.u32 $0x27100, s1  }
0xb: {  	s7 =	sshll.u32 s6, $0x4;
	[smem:$0x7FF] =	sst s4;
	s10 =	smul.u32 $0x28000, s6  }
0xc: {  	s24 =	ssub.s32 $0x2, s6;
	s30 =	smul.u32 $0x271000, s6;
	s7 =	sor.u32 s1, s7  }
0xd: {  	_ =	strace $0x8000004A;
	s25 =	sshrl.u32 s24, $0x1;
	s26 =	sshrl.u32 s12, $0x2  }
0xe: {  	s11 =	sshll.u32 s7, $0xB;
	s8 =	sadd.s32 s8, s10;
	s28 =	smul.u32 $0x138800, s7  }
0xf: {  	s10 =	ssub.s32 s24, s25;
	s14 =	sadd.s32 s26, s3;
	s7 =	smul.u32 $0x27100, s7  }
0x10: {  	s12 =	sadd.s32 s30, s9;
	s24 =	simm.s32 $0x3E00;
	s25 =	simm.s32 $0x0  }
0x11: {  	s11 =	sadd.s32 s11, s5;
	s13 =	sadd.s32 s8, s5;
	s5 =	sor.u32 $0x1C05, s29  }
0x12: {  	s10 =	smax.u32 s10, $0x1;
	s12 =	sadd.s32 s31, s12;
	s8 =	sshrl.u32 s28, $0x3  }
0x13: {  	s6 =	sadd.s32 $0x3600, s11;
	s7 =	sadd.s32 s9, s7;
	s12 =	sadd.s32 $0xF00, s12  }
0x14: {  	s8 =	sadd.s32 s9, s8;
	s9 =	sadd.s32 $0x13600, s13;
	s11 =	sadd.s32 $0x26C00, s7  }
0x15: {  	s13 =	sshrl.u32 s14, $0x3;
	s14 =	simm.s32 $0x5;
	s8 =	sadd.s32 $0x500, s8  }
.LBB2_1:
0x16: {  	[spmem:s13], [sflag:s5] =	dma.local [hbm:s2], $0x2800  }
0x17: {  	_ =	swait.ge [sflag:s14], $0x2800  }
0x18: {  	[sflag:s14] =	ssyncset.done $0x0  }
0x19: {  	[sflag:s14] =	ssyncadd.s32 $0xFFFFD800  }
0x1a: {  	[tilespmem:s4], [sflag:$0x5] =	stream.linear.gather [hbm4b:s6+s4], $0x3E80, $0x38;
	[tilespmem:$0x1D000] =	vst v63  }
0x1b: {  	_ =	swait.ge [sflag:s14], $0x3E80  }
0x1c: {  	[sflag:s14] =	ssyncset.done $0x0  }
0x1d: {  	[sflag:s14] =	ssyncadd.s32 $0xFFFFC180  }
0x1e: {  	[bflag:$0x0] =	sbarrier.arrive $0xFFFF  }
0x1f: {  	[tilespmem:s15], [sflag:$0x1] =	stream.linear.gather [hbm4b:s7+s4], $0x2800, $0x38;
	[tilespmem:$0x1D000] =	vst v63  }
0x20: {  	_ = 	snop  }
0x21: {  	[tilespmem:s16], [sflag:$0x2] =	stream.linear.gather [hbm4b:s8+s4], $0x2800, $0x38;
	[tilespmem:$0x1D000] =	vst v63  }
0x22: {  	_ =	swait.ge [sflag:s17], $0x2800  }
0x23: {  	[sflag:s17] =	ssyncset.done $0x0  }
0x24: {  	s26 =	simm.s32 $0x0;
	[sflag:s17] =	ssyncadd.s32 $0xFFFFD800  }
0x25: {  	[spmem:s3] =	stream.indirect.scatter.add.f32 [tilespmem:s15], [sflag:$0x3], $0x80, s26, s18, $0xb8;
	[tilespmem:$0x1D000] =	vst v63  }
0x26: {  	_ =	swait.ge [sflag:s19], $0x2800  }
0x27: {  	[sflag:s19] =	ssyncset.done $0x0  }
0x28: {  	s30 =	sadd.s32 $0xFFFFFB00, s12;
	[sflag:s19] =	ssyncadd.s32 $0xFFFFD800  }
0x29: {  	[tilespmem:s15], [sflag:$0x1] =	stream.linear.gather [hbm4b:s30+s4], $0x2800, $0x38;
	[tilespmem:$0x1D000] =	vst v63  }
0x2a: {  	_ =	swait.ge [sflag:s20], $0x2800  }
0x2b: {  	[sflag:s20] =	ssyncset.done $0x0  }
0x2c: {  	s31 =	simm.s32 $0x80;
	[sflag:s20] =	ssyncadd.s32 $0xFFFFD800  }
0x2d: {  	[spmem:s3] =	stream.indirect.scatter.add.f32 [tilespmem:s16], [sflag:$0x4], $0x80, s31, s18, $0xb8;
	[tilespmem:$0x1D000] =	vst v63  }
0x2e: {  	_ =	swait.ge [sflag:s21], $0x2800  }
0x2f: {  	s28 =	sadd.s32 $0xA00, s12;
	[sflag:s21] =	ssyncset.done $0x0  }
0x30: {  	s29 =	smov.u32 s12;
	s26 =	simm.s32 $0x400;
	[sflag:s21] =	ssyncadd.s32 $0xFFFFD800  }
.LBB2_2:
0x31: {  	[tilespmem:s16], [sflag:$0x2] =	stream.linear.gather [hbm4b:s29+s4], $0x2800, $0x38;
	[tilespmem:$0x1D000] =	vst v63  }
0x32: {  	s30 =	smov.u32 s26;
	s29 =	smov.u32 s28  }
0x33: {  	p0 =	sne.s32 s26, $0xF000;
	s26 =	sadd.s32 $0x400, s26;
	_ =	swait.ge [sflag:s17], $0x2800  }
0x34: {  	[sflag:s17] =	ssyncset.done $0x0  }
0x35: {  	s30 =	sshra.s32 s30, $0x2;
	[sflag:s17] =	ssyncadd.s32 $0xFFFFD800  }
0x36: {  	[spmem:s3] =	stream.indirect.scatter.add.f32 [tilespmem:s15], [sflag:$0x3], $0x80, s30, s18, $0xb8;
	[tilespmem:$0x1D000] =	vst v63  }
0x37: {  	_ =	swait.ge [sflag:s19], $0x2800  }
0x38: {  	[sflag:s19] =	ssyncset.done $0x0  }
0x39: {  	s31 =	sadd.s32 $0xFFFFFB00, s28;
	[sflag:s19] =	ssyncadd.s32 $0xFFFFD800  }
0x3a: {  	[tilespmem:s15], [sflag:$0x1] =	stream.linear.gather [hbm4b:s31+s4], $0x2800, $0x38;
	[tilespmem:$0x1D000] =	vst v63  }
0x3b: {  	_ =	swait.ge [sflag:s20], $0x2800  }
0x3c: {  	[sflag:s20] =	ssyncset.done $0x0  }
.Ltmp0:
0x3d: {  	s30 =	sadd.s32 $0x80, s30;
	[sflag:s20] =	ssyncadd.s32 $0xFFFFD800;
	(pc) =	sbr.rel @p0 .LBB2_2-.Ltmp0, $4  }
0x3e: {  	[spmem:s3] =	stream.indirect.scatter.add.f32 [tilespmem:s16], [sflag:$0x4], $0x80, s30, s18, $0xb8;
	[tilespmem:$0x1D000] =	vst v63  }
0x3f: {  	_ =	swait.ge [sflag:s21], $0x2800  }
0x40: {  	[sflag:s21] =	ssyncset.done $0x0  }
0x41: {  	s28 =	sadd.s32 $0xA00, s28;
	[sflag:s21] =	ssyncadd.s32 $0xFFFFD800  }
0x42: {  	[tilespmem:s16], [sflag:$0x2] =	stream.linear.gather [hbm4b:s29+s4], $0x2800, $0x38;
	[tilespmem:$0x1D000] =	vst v63  }
0x43: {  	_ =	swait.ge [sflag:s17], $0x2800  }
0x44: {  	[sflag:s17] =	ssyncset.done $0x0  }
0x45: {  	[sflag:s17] =	ssyncadd.s32 $0xFFFFD800  }
0x46: {  	[spmem:s3] =	stream.indirect.scatter.add.f32 [tilespmem:s15], [sflag:$0x3], $0x80, s22, s18, $0xb8;
	[tilespmem:$0x1D000] =	vst v63  }
0x47: {  	_ =	swait.ge [sflag:s19], $0x2800  }
0x48: {  	[sflag:s19] =	ssyncset.done $0x0  }
0x49: {  	[sflag:s19] =	ssyncadd.s32 $0xFFFFD800  }
0x4a: {  	[tilespmem:s15], [sflag:$0x1] =	stream.linear.gather [hbm4b:s11+s4], $0x2800, $0x38;
	[tilespmem:$0x1D000] =	vst v63  }
0x4b: {  	_ =	swait.ge [sflag:s20], $0x2800  }
0x4c: {  	[sflag:s20] =	ssyncset.done $0x0  }
0x4d: {  	[sflag:s20] =	ssyncadd.s32 $0xFFFFD800  }
0x4e: {  	[spmem:s3] =	stream.indirect.scatter.add.f32 [tilespmem:s16], [sflag:$0x4], $0x80, s23, s18, $0xb8;
	[tilespmem:$0x1D000] =	vst v63  }
0x4f: {  	_ =	swait.ge [sflag:s17], $0x2800  }
0x50: {  	[sflag:s17] =	ssyncset.done $0x0  }
0x51: {  	[sflag:s17] =	ssyncadd.s32 $0xFFFFD800  }
0x52: {  	[spmem:s3] =	stream.indirect.scatter.add.f32 [tilespmem:s15], [sflag:$0x3], $0x80, s24, s18, $0xb8;
	[tilespmem:$0x1D000] =	vst v63  }
0x53: {  	_ =	swait.ge [sflag:s21], $0x2800  }
0x54: {  	[sflag:s21] =	ssyncset.done $0x0  }
0x55: {  	[sflag:s21] =	ssyncadd.s32 $0xFFFFD800  }
0x56: {  	_ =	swait.ge [sflag:s19], $0x2800  }
0x57: {  	s25 =	sadd.s32 $0x1, s25;
	[sflag:s19] =	ssyncset.done $0x0  }
0x58: {  	p0 =	sne.s32 s25, s10;
	[sflag:s19] =	ssyncadd.s32 $0xFFFFD800  }
.Ltmp1:
0x59: {  	[bflag:$0x0] =	sbarrier.arrive $0xFFFF;
	(pc) =	sbr.rel @p0 .LBB2_1-.Ltmp1, $4  }
0x5a: {  	[hbm:s9], [sflag:s5] =	dma.local [spmem:s13], $0x2800  }
0x5b: {  	_ =	swait.ge [sflag:s14], $0x2800  }
0x5c: {  	[sflag:s14] =	ssyncset.done $0x0  }
0x5d: {  	[sflag:s14] =	ssyncadd.s32 $0xFFFFD800  }
0x5e: {  	_ =	sfence.sel $0x180000  }
0x5f: {  	[bflag:$0x0] =	sbarrier.arrive $0xFFFF  }
0x60: {  	p0 =	sne.s32 s1, $0x0;
	_ =	strace $0x9000004A  }
0x61: {  	s0 =	sadd.s32 @!p0 $0x100000, s0;
	[bflag:$0x2] =	sbarrier.arrive $0xFFFF  }
0x62: {  	[sflag:s0] =	ssyncadd.tile.s32 @!p0 $0x1;
	_ =	shalt  }
.Lfunc_end2:
_tile_overlayer_lowered:
.L_overlay_start_2:
0x63: {  	(tag) =	ssettag $0x2  }
0x64: {  	s0 =	rddreg [dreg:$0x0];
	s2 =	stileid.u32  }
0x65: {  	s1 =	rddreg [dreg:$0x1];
	p0 =	sne.s32 s2, $0x0  }
0x66: {  	s3 =	rddreg [dreg:$0x2];
	[bflag:$0x3] =	sbarrier.arrive $0xFFFF;
	s2 =	simm.s32 @!p0 $0x1C05  }
0x67: {  	[timem:s3], [sflag:s2] =	dma.local @!p0 [hbm:s0], s1  }
0x68: {  	s0 =	simm.s32 @!p0 $0x5  }
0x69: {  	_ =	swait.ge @!p0 [sflag:s0], s1  }
0x6a: {  	s1 =	ssub.s32 @!p0 $0x0, s1;
	[sflag:s0] =	ssyncset.done @!p0 $0x0  }
0x6b: {  	[sflag:s0] =	ssyncadd.s32 @!p0 s1  }
0x6c: {  	[bflag:$0x3] =	sbarrier.arrive $0xFFFF  }
0x6d: {  	_ =	shalt  }

// kernel: kernel.7.cloned.1.call-start
scs
__scs_entry_jumppad:
0x0: {  	(pc) =	sbr.rel $0x88, $3  }
0x1: {  	(tag) =	ssettag $0x0;
	lr =	simm.s32 $0x1  }
0x2: {  	[smem:$0x3F92] =	sst lr;
	_ =	strace $0xD0000000  }
0x3: {  	_ = 	snop  }
0x4: {  	_ = 	snop  }
0x5: {  	_ = 	snop  }
0x6: {  	_ = 	snop  }
0x7: {  	_ = 	snop  }
__scs_overlays_trampoline_lowered:
0x8: {  	[smem:$0x3FA1] =	sst s0  }
0x9: {  	[smem:$0x3FA2] =	sst s1  }
0xa: {  	[smem:$0x3FA3] =	sst s2  }
0xb: {  	[smem:$0x3FA4] =	sst s3  }
0xc: {  	[smem:$0x3FA5] =	sst s4  }
0xd: {  	[smem:$0x3FA6] =	sst s5  }
0xe: {  	[smem:$0x3FA7] =	sst s6  }
0xf: {  	[smem:$0x3FA8] =	sst s7  }
0x10: {  	[smem:$0x3FA9] =	sst s8  }
0x11: {  	[smem:$0x3FAA] =	sst s9;
	s0 =	simm.s32 @!p0 $0x0  }
0x12: {  	s1 =	sld [smem:$0x3F90];
	s0 =	simm.s32 @p0 $0x1  }
0x13: {  	[smem:$0x3FAB] =	sst s0;
	s0 =	simm.s32 @!p1 $0x0  }
0x14: {  	s2 =	sld [smem:$0x3F8F];
	s0 =	simm.s32 @p1 $0x1  }
0x15: {  	[smem:$0x3FAC] =	sst s0;
	s0 =	simm.s32 @!p2 $0x0  }
0x16: {  	s3 =	sld [smem:$0x3FDB];
	s0 =	simm.s32 @p2 $0x1  }
0x17: {  	s4 =	simm.s32 $0x1BF5;
	[smem:$0x3FAE] =	sst s0  }
0x18: {  	s0 =	sld [smem:$0x3F91];
	_ =	swait.ge [sflag:s4], $0x0  }
0x19: {  	s7 =	sld [smem:$0x3F92]  }
0x1a: {  	s8 =	sadd.s32 $0xFFFFE003, lr  }
0x1b: {  	s9 =	sadd.s32 $0xFFFFFEF7, lr;
	s5 =	simm.s32 $0xFFFFFFFF;
	p2 =	slt.u32 s8, $0xFFFFF086  }
0x1c: {  	p1 =	slt.u32 s9, $0xF7A;
	s5 =	simm.s32 @!p2 $0x0  }
0x1d: {  	s5 =	simm.s32 @p1 $0x1;
	p0 =	seq.s32 s7, s2  }
0x1e: {  	s7 =	smul.u32 @!p0 $0xF7A, s2;
	p2 =	seq.s32 @!p0 s5, $0x0  }
0x1f: {  	s9 =	smul.u32 $0xF7A, s1;
	s8 =	simm.s32 @!p0 $0x1BF5;
	p2 =	por !p2, p0  }
0x20: {  	[sflag:s8] =	ssyncset.s32 @!p0 $0xFFFFF086;
	s6 =	sadd.s32 @!p0 s3, s7;
	s7 =	simm.s32 @!p0 $0x108  }
0x21: {  	s3 =	sadd.s32 s3, s9;
	s6 =	sadd.s32 @!p0 $0x88, s6;
	s7 =	simm.s32 @p2 $0x1082  }
0x22: {  	[simem:s7], [sflag:s8] =	dma.local @!p0 [hbm:s6], $0xF7A  }
0x23: {  	s9 =	sor.u32 $0xD0000000, s2;
	s6 =	simm.s32 $0x108;
	_ =	swait.ge @!p0 [sflag:s8], $0x0  }
0x24: {  	s3 =	sadd.s32 $0x88, s3;
	s6 =	simm.s32 @!p1 $0x1082;
	[sflag:s4] =	ssyncset.s32 $0xFFFFF086  }
0x25: {  	[simem:s6], [sflag:s4] =	dma.local [hbm:s3], $0xF7A  }
0x26: {  	[smem:$0x3F92] =	sst s1;
	(tag) =	ssettag s2;
	_ =	strace s9  }
0x27: {  	s1 =	sld [smem:$0x3FA2]  }
0x28: {  	s2 =	sld [smem:$0x3FA3]  }
0x29: {  	s4 =	sld [smem:$0x3FA5]  }
0x2a: {  	p0 =	seq.s32 s5, $0x0;
	s5 =	sld [smem:$0x3FA6]  }
0x2b: {  	s6 =	sld [smem:$0x3FA7]  }
0x2c: {  	s7 =	sld [smem:$0x3FA8]  }
0x2d: {  	s3 =	simm.s32 $0x108;
	s8 =	sld [smem:$0x3FA9]  }
0x2e: {  	s3 =	simm.s32 @!p0 $0x1082;
	s9 =	sld [smem:$0x3FAA]  }
0x2f: {  	lr =	sadd.s32 s0, s3;
	s0 =	sld [smem:$0x3FA1]  }
0x30: {  	s3 =	sld [smem:$0x3FA4]  }
0x31: {  	[smem:$0x3FAD] =	sst s10  }
0x32: {  	s10 =	sld [smem:$0x3FAB];
	_ =	sdelay $0x3  }
0x33: {  	p0 =	seq.s32 s10, $0x1;
	s10 =	sld [smem:$0x3FAD];
	_ =	sdelay $0x3  }
0x34: {  	[smem:$0x3FAD] =	sst s10  }
0x35: {  	s10 =	sld [smem:$0x3FAC];
	_ =	sdelay $0x3  }
0x36: {  	p1 =	seq.s32 s10, $0x1;
	s10 =	sld [smem:$0x3FAD];
	_ =	sdelay $0x3  }
0x37: {  	[smem:$0x3FAD] =	sst s10  }
0x38: {  	s10 =	sld [smem:$0x3FAE]  }
0x39: {  	_ = 	snop;
	(pc) =	sbr.ind lr, $3  }
0x3a: {  	_ = 	snop  }
0x3b: {  	_ = 	snop  }
0x3c: {  	p2 =	seq.s32 s10, $0x1;
	s10 =	sld [smem:$0x3FAD]  }
0x3d: {  	_ =	shalt  }
0x3e: {  	_ =	shalt  }
0x3f: {  	_ =	shalt  }
0x40: {  	_ =	shalt  }
0x41: {  	_ =	shalt  }
0x42: {  	_ =	shalt  }
0x43: {  	_ =	shalt  }
0x44: {  	_ =	shalt  }
0x45: {  	_ =	shalt  }
0x46: {  	_ =	shalt  }
0x47: {  	_ =	shalt  }
0x48: {  	_ =	shalt  }
0x49: {  	_ =	shalt  }
0x4a: {  	_ =	shalt  }
0x4b: {  	_ =	shalt  }
0x4c: {  	_ =	shalt  }
0x4d: {  	_ =	shalt  }
0x4e: {  	_ =	shalt  }
0x4f: {  	_ =	shalt  }
0x50: {  	_ =	shalt  }
0x51: {  	_ =	shalt  }
0x52: {  	_ =	shalt  }
0x53: {  	_ =	shalt  }
0x54: {  	_ =	shalt  }
0x55: {  	_ =	shalt  }
0x56: {  	_ =	shalt  }
0x57: {  	_ =	shalt  }
0x58: {  	_ =	shalt  }
0x59: {  	_ =	shalt  }
0x5a: {  	_ =	shalt  }
0x5b: {  	_ =	shalt  }
0x5c: {  	_ =	shalt  }
0x5d: {  	_ =	shalt  }
0x5e: {  	_ =	shalt  }
0x5f: {  	_ =	shalt  }
0x60: {  	_ =	shalt  }
0x61: {  	_ =	shalt  }
0x62: {  	_ =	shalt  }
0x63: {  	_ =	shalt  }
0x64: {  	_ =	shalt  }
0x65: {  	_ =	shalt  }
0x66: {  	_ =	shalt  }
0x67: {  	_ =	shalt  }
0x68: {  	_ =	shalt  }
0x69: {  	_ =	shalt  }
0x6a: {  	_ =	shalt  }
0x6b: {  	_ =	shalt  }
0x6c: {  	_ =	shalt  }
0x6d: {  	_ =	shalt  }
0x6e: {  	_ =	shalt  }
0x6f: {  	_ =	shalt  }
0x70: {  	_ =	shalt  }
0x71: {  	_ =	shalt  }
0x72: {  	_ =	shalt  }
0x73: {  	_ =	shalt  }
0x74: {  	_ =	shalt  }
0x75: {  	_ =	shalt  }
0x76: {  	_ =	shalt  }
0x77: {  	_ =	shalt  }
0x78: {  	_ =	shalt  }
0x79: {  	_ =	shalt  }
0x7a: {  	_ =	shalt  }
0x7b: {  	_ =	shalt  }
0x7c: {  	_ =	shalt  }
0x7d: {  	_ =	shalt  }
0x7e: {  	_ =	shalt  }
0x7f: {  	_ =	shalt  }
0x80: {  	_ =	shalt  }
0x81: {  	_ =	shalt  }
0x82: {  	_ =	shalt  }
0x83: {  	_ =	shalt  }
0x84: {  	_ =	shalt  }
0x85: {  	_ =	shalt  }
0x86: {  	_ =	shalt  }
0x87: {  	_ =	shalt  }
.Lfunc_end0:
.L_simem_size_0:
called_computation_lowered:
.L_overlay_start_0:
0x88: {  	s2 =	sld [smem:$0x3FD9]  }
0x89: {  	s3 =	sld [smem:$0x3FFE];
	_ =	sdelay $0x1  }
0x8a: {  	s1 =	srdreg.scid  }
0x8b: {  	s0 =	sand.u32 $0x1, s1  }
0x8c: {  	s14 =	sshll.u32 s0, $0xA;
	s2 =	sadd.s32 s3, s2  }
0x8d: {  	s2 =	sadd.s32 s2, s14  }
0x8e: {  	[smem:$0x3FB9] =	sst s2  }
0x8f: {  	_ = 	snop  }
0x90: {  	s2 =	sld [smem:$0x3FD0];
	_ =	sdelay $0x2  }
0x91: {  	s15 =	simm.s32 $0xA;
	s4 =	simm.s32 $0x10  }
0x92: {  	[smem:s4], [sflag:s15] =	dma.local [hbm:s2], $0x1  }
0x93: {  	_ =	swait.eq [sflag:s15], $0x1  }
0x94: {  	[sflag:s15] =	ssyncset.done $0x0  }
0x95: {  	s16 =	sld [smem:$0x10];
	[sflag:s15] =	ssyncadd.s32 $0xFFFFFFFF  }
0x96: {  	s17 =	sld [smem:$0x11];
	(tm) =	ssettm $0x1  }
0x97: {  	s18 =	sld [smem:$0x3FFB];
	_ =	sdelay $0x3  }
0x98: {  	_ =	strace s18  }
0x99: {  	s4 =	sld [smem:$0x3FFC];
	_ =	sdelay $0x3  }
0x9a: {  	_ =	strace s4  }
0x9b: {  	s4 =	sld [smem:$0x3FFD];
	_ =	sdelay $0x3  }
0x9c: {  	_ =	strace s4  }
0x9d: {  	_ =	strace $0x8FFFFFFF  }
0x9e: {  	s19 =	sld [smem:$0x3FDB];
	_ =	sdelay $0x1  }
0x9f: {  	s5 =	simm.s32 $_scs_section_size  }
0xa0: {  	s6 =	simm.s32 $_size__tile_overlayer_lowered;
	s7 =	simm.s32 $_tile_overlayer_lowered  }
0xa1: {  	s22 =	simm.s32 $0x1BFF;
	s21 =	sshll.u32 s7, $0x1;
	s4 =	sadd.s32 s5, s19  }
0xa2: {  	s8 =	simm.s32 $0x0;
	s20 =	sshll.u32 s6, $0x1;
	s6 =	sadd.s32 s21, s4  }
0xa3: {  	[timem:s8], [sflag:s22] =	dma.local [hbm:s6], s20  }
0xa4: {  	_ =	swait.ge [sflag:s22], s20  }
0xa5: {  	s5 =	ssub.s32 $0x0, s20;
	[sflag:s22] =	ssyncset.done $0x0  }
0xa6: {  	[sflag:s22] =	ssyncadd.s32 s5;
	_ =	sdelay $0x1  }
0xa7: {  	s23 =	simm.s32 $0x1B8B  }
0xa8: {  	_ =	swait.ge [sflag:s23], $0x1  }
0xa9: {  	[sflag:s23] =	ssyncset.done $0x0  }
0xaa: {  	s25 =	simm.s32 $0x1B8E;
	s24 =	sld [smem:$0x3FFE];
	[sflag:s23] =	ssyncadd.s32 $0xFFFFFFFF  }
0xab: {  	s26 =	simm.s32 $execute0_lowered;
	[smem:$0x3FD2] =	sst s25  }
0xac: {  	s6 =	sshll.u32 s26, $0x1;
	_ =	strace $0x80000046;
	[dreg:$0x1] =	wrdreg $0xFFFFFFFF  }
0xad: {  	s28 =	simm.s32 $_size_execute0_lowered;
	s4 =	sadd.s32 s4, s6;
	[dreg:$0x0] =	wrdreg $0x0  }
0xae: {  	s6 =	sshll.u32 s28, $0x1;
	[dreg:$0x2] =	wrdreg s4  }
0xaf: {  	[dreg:$0x3] =	wrdreg s6  }
0xb0: {  	[dreg:$0x4] =	wrdreg $0xC0  }
0xb1: {  	_ =	task [dreg:s8], $0x5FFFF  }
0xb2: {  	[dreg:$0x1] =	wrdreg $0xFFFFFFFF  }
0xb3: {  	[dreg:$0x0] =	wrdreg $0x60  }
0xb4: {  	[dreg:$0x2] =	wrdreg s16  }
0xb5: {  	[dreg:$0x3] =	wrdreg s17  }
0xb6: {  	[dreg:$0x4] =	wrdreg s24  }
0xb7: {  	[dreg:$0x5] =	wrdreg $0x9  }
0xb8: {  	_ =	task.clear_ibuf [dreg:s8], $0x6FFFF;
	_ =	strace $0x90000046  }
0xb9: {  	s29 =	simm.s32 $0x9;
	_ =	strace $0x80000048  }
0xba: {  	_ =	swait.ge [sflag:s29], $0x1  }
0xbb: {  	[sflag:s29] =	ssyncadd.s32 $0xFFFFFFFF  }
0xbc: {  	_ =	strace $0x90000048  }
0xbd: {  	_ =	sfence  }
0xbe: {  	s30 =	sld [smem:$0x0];
	_ =	sdelay $0x2  }
0xbf: {  	s31 =	sshll.u32 s1, $0xD;
	s1 =	sshrl.u32 s1, $0x2  }
0xc0: {  	s3 =	sand.u32 $0x4000, s31;
	s1 =	sadd.s32 s1, s30  }
0xc1: {  	s0 =	sor.u32 s3, s0;
	s1 =	sshll.u32 s1, $0x11  }
0xc2: {  	s0 =	sor.u32 s1, s0  }
0xc3: {  	s0 =	sadd.s32 $0x8F2B, s0  }
0xc4: {  	[sflag:s0] =	ssyncadd.remote.s32 $0x1  }
0xc5: {  	_ =	sfence.sel $0xFFFF  }
0xc6: {  	[dreg:$0x0] =	wrdreg $0xFFFFFFFF;
	(pc) =	sbr.abs _section_cstart, $3  }
0xc7: {  	[dreg:$0x1] =	wrdreg $0xFFFFFFFF  }
0xc8: {  	_ =	task.clear_ibuf [dreg:s8], $0x2FFFF;
	_ =	strace $0x9FFFFFFF  }
0xc9: {  	(tm) =	ssettm $0x7FFFFFFF  }
tec
execute0_lowered:
.L_overlay_start_1:
0x0: {  	(tag) =	ssettag $0x1  }
0x1: {  	s1 =	rddreg [dreg:$0x0]  }
0x2: {  	s2 =	rddreg [dreg:$0x1]  }
0x3: {  	s0 =	rddreg [dreg:$0x2];
	s3 =	srdreg.scid;
	s4 =	simm.s32 $0x0  }
0x4: {  	s6 =	stileid.u32;
	s12 =	simm.s32 $0x7;
	s14 =	simm.s32 $0x50  }
0x5: {  	s15 =	simm.s32 $0x8000;
	s16 =	simm.s32 $0xD000;
	s18 =	simm.s32 $0xA800  }
0x6: {  	s20 =	simm.s32 $0xF800;
	s21 =	simm.s32 $0x1;
	s22 =	simm.s32 $0x3  }
0x7: {  	s23 =	simm.s32 $0x12000;
	s24 =	simm.s32 $0x2;
	s25 =	simm.s32 $0x4  }
0x8: {  	s28 =	simm.s32 $0x5;
	s29 =	simm.s32 $0x6;
	s3 =	sand.u32 $0x1, s3  }
0x9: {  	s30 =	simm.s32 $0x0;
	[smem:$0x7FF] =	sst s4;
	s5 =	sshll.u32 s3, $0x4  }
0xa: {  	_ =	strace $0x80000047;
	s3 =	ssub.s32 $0x2, s3;
	s6 =	sor.u32 s6, s5  }
0xb: {  	s26 =	sshrl.u32 s3, $0x1;
	s5 =	sshll.u32 s6, $0xB;
	s7 =	smul.u32 $0x138800, s6  }
0xc: {  	s6 =	smul.u32 $0x2710, s6;
	s8 =	sadd.s32 s5, s0;
	s5 =	sadd.s32 $0x23600, s0  }
0xd: {  	s0 =	ssub.s32 s3, s26;
	s26 =	simm.s32 $0x14800;
	s31 =	sshrl.u32 s7, $0x3  }
0xe: {  	s7 =	sadd.s32 $0x3600, s8;
	s8 =	sadd.s32 $0x13600, s8;
	s3 =	sadd.s32 s5, s31  }
0xf: {  	s9 =	sadd.s32 $0x50, s6;
	s11 =	smax.u32 s0, $0x1;
	s10 =	sadd.s32 $0x26C00, s3  }
.LBB2_1:
0x10: {  	[tilespmem:s4], [sflag:$0x7] =	stream.linear.gather [hbm4b:s7+s4], $0x3E80, $0x38;
	[tilespmem:$0x17000] =	vst v63  }
0x11: {  	_ =	swait.ge [sflag:s12], $0x3E80  }
0x12: {  	[sflag:s12] =	ssyncset.done $0x0  }
0x13: {  	s0 =	simm.s32 $0x4000;
	[sflag:s12] =	ssyncadd.s32 $0xFFFFC180  }
0x14: {  	[tilespmem:s0], [sflag:$0x7] =	stream.linear.gather [hbm4b:s8+s4], $0x3E80, $0x38;
	[tilespmem:$0x17000] =	vst v63  }
0x15: {  	_ =	swait.ge [sflag:s12], $0x3E80  }
0x16: {  	[sflag:s12] =	ssyncset.done $0x0  }
0x17: {  	[sflag:s12] =	ssyncadd.s32 $0xFFFFC180  }
0x18: {  	[tilespmem:s15], [sflag:$0x1] =	stream.indirect.gather [hbm4b:s1+s14], $0x80, s4, s14, $0xb8;
	[tilespmem:$0x17000] =	vst v63  }
0x19: {  	_ = 	snop  }
0x1a: {  	[tilespmem:s16], [sflag:$0x3] =	stream.indirect.gather [hbm4b:s2+s14], $0x80, s0, s14, $0xb8;
	[tilespmem:$0x17000] =	vst v63  }
0x1b: {  	s17 =	simm.s32 $0x80  }
0x1c: {  	[tilespmem:s18], [sflag:$0x2] =	stream.indirect.gather [hbm4b:s1+s14], $0x80, s17, s14, $0xb8;
	[tilespmem:$0x17000] =	vst v63  }
0x1d: {  	s19 =	simm.s32 $0x4080;
	s31 =	simm.s32 $0x0  }
0x1e: {  	[tilespmem:s20], [sflag:$0x4] =	stream.indirect.gather [hbm4b:s2+s14], $0x80, s19, s14, $0xb8;
	[tilespmem:$0x17000] =	vst v63  }
.LBB2_2:
0x1f: {  	_ =	swait.ge [sflag:s21], $0x2800  }
0x20: {  	[sflag:s21] =	ssyncset.done $0x0  }
0x21: {  	[sflag:s21] =	ssyncadd.s32 $0xFFFFD800  }
0x22: {  	_ =	swait.ge [sflag:s22], $0x2800  }
0x23: {  	p0 =	seq.s32 s31, $0x0;
	[sflag:s22] =	ssyncset.done $0x0  }
0x24: {  	s0 =	simm.s32 @!p0 $0x5;
	[sflag:s22] =	ssyncadd.s32 $0xFFFFD800  }
0x25: {  	_ =	swait.ge @!p0 [sflag:s0], $0x2800  }
0x26: {  	[sflag:s0] =	ssyncset.done @!p0 $0x0  }
0x27: {  	s3 =	simm.s32 $0x0;
	[sflag:s0] =	ssyncadd.s32 @!p0 $0xFFFFD800  }
0x28: {  	v0 =	vld [tilespmem:s3+$0x8070]  }
0x29: {  	v1 =	vld [tilespmem:s3+$0xD070]  }
0x2a: {  	v2 =	vld [tilespmem:s3+$0x8000]  }
0x2b: {  	v3 =	vld [tilespmem:s3+$0xD000]  }
0x2c: {  	v4 =	vld [tilespmem:s3+$0x8010]  }
0x2d: {  	v5 =	vld [tilespmem:s3+$0xD010]  }
0x2e: {  	v6 =	vld [tilespmem:s3+$0x8020]  }
0x2f: {  	v7 =	vld [tilespmem:s3+$0x8030]  }
0x30: {  	v0 =	vadd.f32 v1, v0;
	v1 =	vld [tilespmem:s3+$0xD020]  }
0x31: {  	v8 =	vld [tilespmem:s3+$0xD030]  }
0x32: {  	v9 =	vld [tilespmem:s3+$0xD040];
	v2 =	vadd.f32 v3, v2  }
0x33: {  	[tilespmem:s3+$0x12070] =	vst v0;
	v0 =	vadd.f32 v5, v4;
	v5 =	vld [tilespmem:s3+$0x8040]  }
0x34: {  	v3 =	vld [tilespmem:s3+$0xD050];
	[tilespmem:s3+$0x12000] =	vst v2  }
0x35: {  	v2 =	vld [tilespmem:s3+$0x8050];
	[tilespmem:s3+$0x12010] =	vst v0;
	v0 =	vadd.f32 v1, v6  }
0x36: {  	v4 =	vld [tilespmem:s3+$0xD060];
	v6 =	vadd.f32 v8, v7  }
0x37: {  	s17 =	simm.s32 $0x80;
	[tilespmem:s3+$0x12020] =	vst v0;
	v0 =	vld [tilespmem:s3+$0x8060]  }
0x38: {  	s19 =	simm.s32 $0x400;
	s0 =	sshll.u32 s31, $0x8;
	v5 =	vadd.f32 v9, v5;
	v1 =	vld [tilespmem:s17+$0x8070];
	[tilespmem:s3+$0x12030] =	vst v6  }
.LBB2_3:
0x39: {  	p1 =	sne.s32 s19, $0x9E00;
	v6 =	vld [tilespmem:s17+$0xD070]  }
0x3a: {  	v7 =	vld [tilespmem:s17+$0x8000];
	[tilespmem:s3+$0x12040] =	vst v5;
	v2 =	vadd.f32 v3, v2  }
0x3b: {  	v3 =	vld [tilespmem:s17+$0xD000]  }
0x3c: {  	v5 =	vld [tilespmem:s17+$0x8010];
	[tilespmem:s3+$0x12050] =	vst v2;
	v0 =	vadd.f32 v4, v0  }
0x3d: {  	v2 =	vld [tilespmem:s17+$0xD010]  }
0x3e: {  	v4 =	vld [tilespmem:s17+$0x8020];
	v1 =	vadd.f32 v6, v1;
	[tilespmem:s3+$0x12060] =	vst v0;
	s3 =	smov.u32 s17  }
0x3f: {  	v0 =	vld [tilespmem:s3+$0xD020]  }
0x40: {  	v3 =	vadd.f32 v3, v7;
	v6 =	vld [tilespmem:s3+$0x8030];
	[tilespmem:s3+$0x12070] =	vst v1  }
0x41: {  	v1 =	vld [tilespmem:s3+$0xD030]  }
0x42: {  	[tilespmem:s3+$0x12000] =	vst v3;
	v2 =	vadd.f32 v2, v5;
	v5 =	vld [tilespmem:s3+$0x8040]  }
0x43: {  	v7 =	vld [tilespmem:s3+$0xD040]  }
.Ltmp0:
0x44: {  	[tilespmem:s3+$0x12010] =	vst v2;
	v0 =	vadd.f32 v0, v4;
	v2 =	vld [tilespmem:s3+$0x8050];
	(pc) =	sbr.rel @p1 .LBB2_3-.Ltmp0, $4  }
0x45: {  	v3 =	vld [tilespmem:s3+$0xD050]  }
0x46: {  	[tilespmem:s3+$0x12020] =	vst v0;
	v6 =	vadd.f32 v1, v6;
	v0 =	vld [tilespmem:s3+$0x8060]  }
0x47: {  	s17 =	sshra.s32 s19, $0x2;
	v4 =	vld [tilespmem:s3+$0xD060]  }
0x48: {  	s19 =	sadd.s32 $0x200, s19;
	v1 =	vld [tilespmem:s17+$0x8070];
	[tilespmem:s3+$0x12030] =	vst v6;
	v5 =	vadd.f32 v7, v5  }
0x49: {  	v6 =	vld [tilespmem:s17+$0xD070]  }
0x4a: {  	v7 =	vld [tilespmem:s17+$0x8000];
	[tilespmem:s3+$0x12040] =	vst v5;
	v2 =	vadd.f32 v3, v2  }
0x4b: {  	v3 =	vld [tilespmem:s17+$0xD000]  }
0x4c: {  	v5 =	vld [tilespmem:s17+$0x8010];
	[tilespmem:s3+$0x12050] =	vst v2;
	v0 =	vadd.f32 v4, v0  }
0x4d: {  	v2 =	vld [tilespmem:s17+$0xD010]  }
0x4e: {  	v4 =	vld [tilespmem:s17+$0x8020];
	[tilespmem:s3+$0x12060] =	vst v0  }
0x4f: {  	v0 =	vadd.f32 v6, v1;
	v1 =	vld [tilespmem:s17+$0xD020]  }
0x50: {  	v6 =	vld [tilespmem:s17+$0x8030]  }
0x51: {  	v3 =	vadd.f32 v3, v7;
	[tilespmem:s17+$0x12070] =	vst v0;
	v0 =	vld [tilespmem:s17+$0xD030]  }
0x52: {  	v7 =	vld [tilespmem:s17+$0xD060]  }
0x53: {  	[tilespmem:s17+$0x12000] =	vst v3;
	v2 =	vadd.f32 v2, v5;
	v3 =	vld [tilespmem:s17+$0x8040]  }
0x54: {  	v5 =	vld [tilespmem:s17+$0xD040]  }
0x55: {  	[tilespmem:s17+$0x12010] =	vst v2;
	v1 =	vadd.f32 v1, v4;
	v2 =	vld [tilespmem:s17+$0x8050]  }
0x56: {  	v4 =	vld [tilespmem:s17+$0xD050]  }
0x57: {  	[tilespmem:s17+$0x12020] =	vst v1;
	v1 =	vld [tilespmem:s17+$0x8060];
	_ =	sdelay $0x1  }
0x58: {  	v0 =	vadd.f32 v0, v6  }
0x59: {  	s3 =	smul.u32 $0xA0, s31;
	v3 =	vadd.f32 v5, v3  }
0x5a: {  	[tilespmem:s17+$0x12030] =	vst v0;
	v0 =	vadd.f32 v4, v2  }
0x5b: {  	s13 =	sadd.s32 s6, s3;
	[tilespmem:s17+$0x12040] =	vst v3;
	v1 =	vadd.f32 v7, v1  }
0x5c: {  	s13 =	sshll.u32 s13, $0x4;
	[tilespmem:s17+$0x12050] =	vst v0  }
0x5d: {  	s13 =	sadd.s32 s5, s13;
	[tilespmem:s17+$0x12060] =	vst v1  }
0x5e: {  	[hbm4b:s13+s4] =	stream.linear.scatter [tilespmem:s23], [sflag:$0x5], $0x2800, $0x38;
	[tilespmem:$0x17000] =	vst v63  }
0x5f: {  	s17 =	sadd.s32 $0x100, s0  }
0x60: {  	[tilespmem:s15], [sflag:$0x1] =	stream.indirect.gather [hbm4b:s1+s14], $0x80, s17, s14, $0xb8;
	[tilespmem:$0x17000] =	vst v63  }
0x61: {  	s19 =	sadd.s32 $0x4100, s0  }
0x62: {  	[tilespmem:s16], [sflag:$0x3] =	stream.indirect.gather [hbm4b:s2+s14], $0x80, s19, s14, $0xb8;
	[tilespmem:$0x17000] =	vst v63  }
0x63: {  	_ =	swait.ge [sflag:s24], $0x2800  }
0x64: {  	[sflag:s24] =	ssyncset.done $0x0  }
0x65: {  	[sflag:s24] =	ssyncadd.s32 $0xFFFFD800  }
0x66: {  	_ =	swait.ge [sflag:s25], $0x2800  }
0x67: {  	[sflag:s25] =	ssyncset.done $0x0  }
0x68: {  	s13 =	simm.s32 @!p0 $0x6;
	[sflag:s25] =	ssyncadd.s32 $0xFFFFD800  }
0x69: {  	_ =	swait.ge @!p0 [sflag:s13], $0x2800  }
0x6a: {  	[sflag:s13] =	ssyncset.done @!p0 $0x0  }
0x6b: {  	s17 =	simm.s32 $0x0;
	[sflag:s13] =	ssyncadd.s32 @!p0 $0xFFFFD800  }
0x6c: {  	v0 =	vld [tilespmem:s17+$0xA870]  }
0x6d: {  	v1 =	vld [tilespmem:s17+$0xF870]  }
0x6e: {  	v2 =	vld [tilespmem:s17+$0xA800]  }
0x6f: {  	v3 =	vld [tilespmem:s17+$0xF800]  }
0x70: {  	v4 =	vld [tilespmem:s17+$0xA810]  }
0x71: {  	v5 =	vld [tilespmem:s17+$0xF810]  }
0x72: {  	v6 =	vld [tilespmem:s17+$0xA820]  }
0x73: {  	v7 =	vld [tilespmem:s17+$0xA830]  }
0x74: {  	v0 =	vadd.f32 v1, v0;
	v1 =	vld [tilespmem:s17+$0xF820]  }
0x75: {  	v8 =	vld [tilespmem:s17+$0xF830]  }
0x76: {  	v9 =	vld [tilespmem:s17+$0xF840];
	v2 =	vadd.f32 v3, v2  }
0x77: {  	[tilespmem:s17+$0x14870] =	vst v0;
	v0 =	vadd.f32 v5, v4;
	v5 =	vld [tilespmem:s17+$0xA840]  }
0x78: {  	v3 =	vld [tilespmem:s17+$0xF850];
	[tilespmem:s17+$0x14800] =	vst v2  }
0x79: {  	v2 =	vld [tilespmem:s17+$0xA850];
	[tilespmem:s17+$0x14810] =	vst v0;
	v0 =	vadd.f32 v1, v6  }
0x7a: {  	v4 =	vld [tilespmem:s17+$0xF860];
	v6 =	vadd.f32 v8, v7  }
0x7b: {  	s19 =	simm.s32 $0x80;
	[tilespmem:s17+$0x14820] =	vst v0;
	v0 =	vld [tilespmem:s17+$0xA860]  }
0x7c: {  	s13 =	simm.s32 $0x400;
	v5 =	vadd.f32 v9, v5;
	v1 =	vld [tilespmem:s19+$0xA870];
	[tilespmem:s17+$0x14830] =	vst v6  }
.LBB2_5:
0x7d: {  	p0 =	sne.s32 s13, $0x9E00;
	v6 =	vld [tilespmem:s19+$0xF870]  }
0x7e: {  	v7 =	vld [tilespmem:s19+$0xA800];
	[tilespmem:s17+$0x14840] =	vst v5;
	v2 =	vadd.f32 v3, v2  }
0x7f: {  	v3 =	vld [tilespmem:s19+$0xF800]  }
0x80: {  	v5 =	vld [tilespmem:s19+$0xA810];
	[tilespmem:s17+$0x14850] =	vst v2;
	v0 =	vadd.f32 v4, v0  }
0x81: {  	v2 =	vld [tilespmem:s19+$0xF810]  }
0x82: {  	v4 =	vld [tilespmem:s19+$0xA820];
	v1 =	vadd.f32 v6, v1;
	[tilespmem:s17+$0x14860] =	vst v0;
	s17 =	smov.u32 s19  }
0x83: {  	v0 =	vld [tilespmem:s17+$0xF820]  }
0x84: {  	v3 =	vadd.f32 v3, v7;
	v6 =	vld [tilespmem:s17+$0xA830];
	[tilespmem:s17+$0x14870] =	vst v1  }
0x85: {  	v1 =	vld [tilespmem:s17+$0xF830]  }
0x86: {  	[tilespmem:s17+$0x14800] =	vst v3;
	v2 =	vadd.f32 v2, v5;
	v5 =	vld [tilespmem:s17+$0xA840]  }
0x87: {  	v7 =	vld [tilespmem:s17+$0xF840]  }
.Ltmp1:
0x88: {  	[tilespmem:s17+$0x14810] =	vst v2;
	v0 =	vadd.f32 v0, v4;
	v2 =	vld [tilespmem:s17+$0xA850];
	(pc) =	sbr.rel @p0 .LBB2_5-.Ltmp1, $4  }
0x89: {  	v3 =	vld [tilespmem:s17+$0xF850]  }
0x8a: {  	[tilespmem:s17+$0x14820] =	vst v0;
	v6 =	vadd.f32 v1, v6;
	v0 =	vld [tilespmem:s17+$0xA860]  }
0x8b: {  	s19 =	sshra.s32 s13, $0x2;
	v4 =	vld [tilespmem:s17+$0xF860]  }
0x8c: {  	s13 =	sadd.s32 $0x200, s13;
	v1 =	vld [tilespmem:s19+$0xA870];
	[tilespmem:s17+$0x14830] =	vst v6;
	v5 =	vadd.f32 v7, v5  }
0x8d: {  	v6 =	vld [tilespmem:s19+$0xF870]  }
0x8e: {  	v7 =	vld [tilespmem:s19+$0xA800];
	[tilespmem:s17+$0x14840] =	vst v5;
	v2 =	vadd.f32 v3, v2  }
0x8f: {  	v51 =	vld [tilespmem:s19+$0xF800]  }
0x90: {  	v5 =	vld [tilespmem:s19+$0xA810];
	[tilespmem:s17+$0x14850] =	vst v2;
	v0 =	vadd.f32 v4, v0  }
0x91: {  	v2 =	vld [tilespmem:s19+$0xF810]  }
0x92: {  	v52 =	vld [tilespmem:s19+$0xA820];
	[tilespmem:s17+$0x14860] =	vst v0  }
0x93: {  	v54 =	vld [tilespmem:s19+$0xF820]  }
0x94: {  	v55 =	vld [tilespmem:s19+$0xA830]  }
0x95: {  	v56 =	vld [tilespmem:s19+$0xF830]  }
0x96: {  	v57 =	vld [tilespmem:s19+$0xA840]  }
0x97: {  	v58 =	vld [tilespmem:s19+$0xF840]  }
0x98: {  	v59 =	vld [tilespmem:s19+$0xA850]  }
0x99: {  	v53 =	vadd.f32 v6, v1;
	v60 =	vld [tilespmem:s19+$0xF850]  }
0x9a: {  	v61 =	vld [tilespmem:s19+$0xA860];
	v3 =	vadd.f32 v51, v7  }
0x9b: {  	v62 =	vld [tilespmem:s19+$0xF860];
	[tilespmem:s19+$0x14870] =	vst v53;
	v2 =	vadd.f32 v2, v5  }
0x9c: {  	[tilespmem:s19+$0x14800] =	vst v3;
	v1 =	vadd.f32 v54, v52  }
0x9d: {  	[tilespmem:s19+$0x14810] =	vst v2;
	v0 =	vadd.f32 v56, v55  }
0x9e: {  	p0 =	seq.s32 s31, $0x3D;
	v3 =	vadd.f32 v58, v57;
	[tilespmem:s19+$0x14820] =	vst v1  }
.Ltmp2:
0x9f: {  	v63 =	vadd.f32 v60, v59;
	[tilespmem:s19+$0x14830] =	vst v0;
	(pc) =	sbr.rel @p0 .LBB2_8-.Ltmp2, $4  }
0xa0: {  	s3 =	sadd.s32 s3, s9;
	[tilespmem:s19+$0x14840] =	vst v3;
	v1 =	vadd.f32 v62, v61  }
0xa1: {  	s3 =	sshll.u32 s3, $0x4;
	[tilespmem:s19+$0x14850] =	vst v63  }
0xa2: {  	s3 =	sadd.s32 s5, s3;
	[tilespmem:s19+$0x14860] =	vst v1  }
0xa3: {  	[hbm4b:s3+s4] =	stream.linear.scatter [tilespmem:s26], [sflag:$0x6], $0x2800, $0x38;
	[tilespmem:$0x17000] =	vst v63  }
.Ltmp3:
0xa4: {  	(pc) =	sbr.rel .LBB2_2-.Ltmp3, $4  }
0xa5: {  	s3 =	sadd.s32 $0x180, s0  }
0xa6: {  	[tilespmem:s18], [sflag:$0x2] =	stream.indirect.gather [hbm4b:s1+s14], $0x80, s3, s14, $0xb8;
	[tilespmem:$0x17000] =	vst v63  }
0xa7: {  	s19 =	sadd.s32 $0x4180, s0;
	s31 =	sadd.s32 $0x1, s31  }
0xa8: {  	[tilespmem:s20], [sflag:$0x4] =	stream.indirect.gather [hbm4b:s2+s14], $0x80, s19, s14, $0xb8;
	[tilespmem:$0x17000] =	vst v63  }
.LBB2_8:
0xa9: {  	_ =	swait.ge [sflag:s21], $0x2800  }
0xaa: {  	[sflag:s21] =	ssyncset.done $0x0  }
0xab: {  	[sflag:s21] =	ssyncadd.s32 $0xFFFFD800  }
0xac: {  	_ =	swait.ge [sflag:s22], $0x2800  }
0xad: {  	[sflag:s22] =	ssyncset.done $0x0  }
0xae: {  	[sflag:s22] =	ssyncadd.s32 $0xFFFFD800  }
0xaf: {  	_ =	swait.ge [sflag:s28], $0x2800  }
0xb0: {  	[sflag:s28] =	ssyncset.done $0x0  }
0xb1: {  	s0 =	simm.s32 $0x0;
	[sflag:s28] =	ssyncadd.s32 $0xFFFFD800  }
0xb2: {  	v0 =	vld [tilespmem:s0+$0x8070]  }
0xb3: {  	v1 =	vld [tilespmem:s0+$0xD070]  }
0xb4: {  	v2 =	vld [tilespmem:s0+$0x8000]  }
0xb5: {  	v3 =	vld [tilespmem:s0+$0xD000]  }
0xb6: {  	v4 =	vld [tilespmem:s0+$0x8010]  }
0xb7: {  	v5 =	vld [tilespmem:s0+$0xD010]  }
0xb8: {  	v6 =	vld [tilespmem:s0+$0x8020]  }
0xb9: {  	v7 =	vld [tilespmem:s0+$0x8030]  }
0xba: {  	v0 =	vadd.f32 v1, v0;
	v1 =	vld [tilespmem:s0+$0xD020]  }
0xbb: {  	v8 =	vld [tilespmem:s0+$0xD030]  }
0xbc: {  	v9 =	vld [tilespmem:s0+$0xD040];
	v2 =	vadd.f32 v3, v2  }
0xbd: {  	[tilespmem:s0+$0x12070] =	vst v0;
	v0 =	vadd.f32 v5, v4;
	v5 =	vld [tilespmem:s0+$0x8040]  }
0xbe: {  	v3 =	vld [tilespmem:s0+$0xD050];
	[tilespmem:s0+$0x12000] =	vst v2  }
0xbf: {  	v2 =	vld [tilespmem:s0+$0x8050];
	[tilespmem:s0+$0x12010] =	vst v0;
	v0 =	vadd.f32 v1, v6  }
0xc0: {  	v4 =	vld [tilespmem:s0+$0xD060];
	v6 =	vadd.f32 v8, v7  }
0xc1: {  	s3 =	simm.s32 $0x80;
	[tilespmem:s0+$0x12020] =	vst v0;
	v0 =	vld [tilespmem:s0+$0x8060]  }
0xc2: {  	s13 =	simm.s32 $0x400;
	v5 =	vadd.f32 v9, v5;
	v1 =	vld [tilespmem:s3+$0x8070];
	[tilespmem:s0+$0x12030] =	vst v6  }
.LBB2_9:
0xc3: {  	p0 =	sne.s32 s13, $0x9E00;
	v6 =	vld [tilespmem:s3+$0xD070]  }
0xc4: {  	v7 =	vld [tilespmem:s3+$0x8000];
	[tilespmem:s0+$0x12040] =	vst v5;
	v2 =	vadd.f32 v3, v2  }
0xc5: {  	v3 =	vld [tilespmem:s3+$0xD000]  }
0xc6: {  	v5 =	vld [tilespmem:s3+$0x8010];
	[tilespmem:s0+$0x12050] =	vst v2;
	v0 =	vadd.f32 v4, v0  }
0xc7: {  	v2 =	vld [tilespmem:s3+$0xD010]  }
0xc8: {  	v4 =	vld [tilespmem:s3+$0x8020];
	v1 =	vadd.f32 v6, v1;
	[tilespmem:s0+$0x12060] =	vst v0;
	s0 =	smov.u32 s3  }
0xc9: {  	v0 =	vld [tilespmem:s0+$0xD020]  }
0xca: {  	v3 =	vadd.f32 v3, v7;
	v6 =	vld [tilespmem:s0+$0x8030];
	[tilespmem:s0+$0x12070] =	vst v1  }
0xcb: {  	v1 =	vld [tilespmem:s0+$0xD030]  }
0xcc: {  	[tilespmem:s0+$0x12000] =	vst v3;
	v2 =	vadd.f32 v2, v5;
	v5 =	vld [tilespmem:s0+$0x8040]  }
0xcd: {  	v7 =	vld [tilespmem:s0+$0xD040]  }
.Ltmp4:
0xce: {  	[tilespmem:s0+$0x12010] =	vst v2;
	v0 =	vadd.f32 v0, v4;
	v2 =	vld [tilespmem:s0+$0x8050];
	(pc) =	sbr.rel @p0 .LBB2_9-.Ltmp4, $4  }
0xcf: {  	v3 =	vld [tilespmem:s0+$0xD050]  }
0xd0: {  	[tilespmem:s0+$0x12020] =	vst v0;
	v6 =	vadd.f32 v1, v6;
	v0 =	vld [tilespmem:s0+$0x8060]  }
0xd1: {  	s3 =	sshra.s32 s13, $0x2;
	v4 =	vld [tilespmem:s0+$0xD060]  }
0xd2: {  	s13 =	sadd.s32 $0x200, s13;
	v1 =	vld [tilespmem:s3+$0x8070];
	[tilespmem:s0+$0x12030] =	vst v6;
	v5 =	vadd.f32 v7, v5  }
0xd3: {  	v6 =	vld [tilespmem:s3+$0xD070]  }
0xd4: {  	v7 =	vld [tilespmem:s3+$0x8000];
	[tilespmem:s0+$0x12040] =	vst v5;
	v2 =	vadd.f32 v3, v2  }
0xd5: {  	v51 =	vld [tilespmem:s3+$0xD000]  }
0xd6: {  	v5 =	vld [tilespmem:s3+$0x8010];
	[tilespmem:s0+$0x12050] =	vst v2;
	v0 =	vadd.f32 v4, v0  }
0xd7: {  	v2 =	vld [tilespmem:s3+$0xD010]  }
0xd8: {  	v52 =	vld [tilespmem:s3+$0x8020];
	[tilespmem:s0+$0x12060] =	vst v0  }
0xd9: {  	v54 =	vld [tilespmem:s3+$0xD020]  }
0xda: {  	v55 =	vld [tilespmem:s3+$0x8030]  }
0xdb: {  	v56 =	vld [tilespmem:s3+$0xD030]  }
0xdc: {  	v57 =	vld [tilespmem:s3+$0x8040]  }
0xdd: {  	v58 =	vld [tilespmem:s3+$0xD040]  }
0xde: {  	v59 =	vld [tilespmem:s3+$0x8050]  }
0xdf: {  	v53 =	vadd.f32 v6, v1;
	v60 =	vld [tilespmem:s3+$0xD050]  }
0xe0: {  	v61 =	vld [tilespmem:s3+$0x8060];
	v3 =	vadd.f32 v51, v7  }
0xe1: {  	v62 =	vld [tilespmem:s3+$0xD060];
	[tilespmem:s3+$0x12070] =	vst v53;
	v2 =	vadd.f32 v2, v5  }
0xe2: {  	[tilespmem:s3+$0x12000] =	vst v3;
	v1 =	vadd.f32 v54, v52  }
0xe3: {  	[tilespmem:s3+$0x12010] =	vst v2;
	v0 =	vadd.f32 v56, v55  }
0xe4: {  	v3 =	vadd.f32 v58, v57;
	[tilespmem:s3+$0x12020] =	vst v1  }
0xe5: {  	v63 =	vadd.f32 v60, v59;
	[tilespmem:s3+$0x12030] =	vst v0  }
0xe6: {  	[tilespmem:s3+$0x12040] =	vst v3;
	v1 =	vadd.f32 v62, v61  }
0xe7: {  	[tilespmem:s3+$0x12050] =	vst v63  }
0xe8: {  	s30 =	sadd.s32 $0x1, s30;
	[tilespmem:s3+$0x12060] =	vst v1  }
0xe9: {  	[hbm4b:s10+s4] =	stream.linear.scatter [tilespmem:s23], [sflag:$0x5], $0x2800, $0x38;
	[tilespmem:$0x17000] =	vst v63  }
0xea: {  	p0 =	sne.s32 s30, s11;
	_ =	swait.ge [sflag:s29], $0x2800  }
.Ltmp5:
0xeb: {  	[sflag:s29] =	ssyncset.done $0x0;
	(pc) =	sbr.rel @p0 .LBB2_1-.Ltmp5, $4  }
0xec: {  	[sflag:s29] =	ssyncadd.s32 $0xFFFFD800  }
0xed: {  	_ =	swait.ge [sflag:s28], $0x2800  }
0xee: {  	[sflag:s28] =	ssyncset.done $0x0  }
0xef: {  	[sflag:s28] =	ssyncadd.s32 $0xFFFFD800  }
0xf0: {  	_ =	sfence.sel $0x180000  }
0xf1: {  	[bflag:$0x0] =	sbarrier.arrive $0xFFFF  }
0xf2: {  	_ =	strace $0x90000047  }
0xf3: {  	s0 =	stileid.u32;
	[bflag:$0x2] =	sbarrier.arrive $0xFFFF  }
0xf4: {  	p0 =	sne.s32 s0, $0x0;
	s0 =	rddreg [dreg:$0x3]  }
0xf5: {  	s0 =	sadd.s32 @!p0 $0x100000, s0  }
0xf6: {  	[sflag:s0] =	ssyncadd.tile.s32 @!p0 $0x1;
	_ =	shalt  }
.Lfunc_end2:
_tile_overlayer_lowered:
.L_overlay_start_2:
0xf7: {  	(tag) =	ssettag $0x2  }
0xf8: {  	s0 =	rddreg [dreg:$0x0];
	s2 =	stileid.u32  }
0xf9: {  	s1 =	rddreg [dreg:$0x1];
	p0 =	sne.s32 s2, $0x0  }
0xfa: {  	s3 =	rddreg [dreg:$0x2];
	[bflag:$0x3] =	sbarrier.arrive $0xFFFF;
	s2 =	simm.s32 @!p0 $0x1C07  }
0xfb: {  	[timem:s3], [sflag:s2] =	dma.local @!p0 [hbm:s0], s1  }
0xfc: {  	s0 =	simm.s32 @!p0 $0x7  }
0xfd: {  	_ =	swait.ge @!p0 [sflag:s0], s1  }
0xfe: {  	s1 =	ssub.s32 @!p0 $0x0, s1;
	[sflag:s0] =	ssyncset.done @!p0 $0x0  }
0xff: {  	[sflag:s0] =	ssyncadd.s32 @!p0 s1  }
0x100: {  	[bflag:$0x3] =	sbarrier.arrive $0xFFFF  }
0x101: {  	_ =	shalt  }

</sc_bundles>
